<compile_context>
chip_gen: v7x
topology: tpu7x:2x2x1
jax: 0.10.2.dev20260603
libtpu: 0.0.44.dev20260713+nightly
codegen_flags: <defaults>
</compile_context>

<pallas_src>
import functools

import jax
import jax.numpy as jnp
from jax import lax
from jax.experimental import pallas as pl
from jax.experimental.pallas import tpu as pltpu
from jax.experimental.pallas import tpu_sc as plsc

K = 10
KK = K * K
NC = 2
NS = 16
L = 16
NW = NC * NS

N = 4_000_000
PER_W = N // NW
CHUNK = 1000
STEPS = PER_W // CHUNK
G_FULL = CHUNK // L
TAIL = CHUNK - G_FULL * L
PAD = 16


UNROLL = 2


def _sc_body(logits_hbm, targets_hbm, out_hbm,
             buf0, buf1, tgt0, tgt1, hist, sem0, sem1):
    wid = lax.axis_index("s") * NC + lax.axis_index("c")
    lane = lax.iota(jnp.int32, L)
    ones = jnp.ones((L,), jnp.float32)
    zeros16 = jnp.zeros((L,), jnp.float32)
    tail_mask = lane < TAIL

    @plsc.parallel_loop(0, KK, unroll=4)
    def _(i):
        hist[pl.ds(i * L, L)] = zeros16

    def start_dma(s, buf, tgt, sem):
        base = wid * PER_W + s * CHUNK
        pltpu.async_copy(logits_hbm.at[pl.ds(base, CHUNK), :],
                         buf.at[pl.ds(0, CHUNK), :], sem)
        pltpu.async_copy(targets_hbm.at[pl.ds(base, CHUNK)],
                         tgt.at[pl.ds(0, CHUNK)], sem)

    def wait_dma(buf, tgt, sem):
        pltpu.make_async_copy(logits_hbm.at[pl.ds(0, CHUNK), :],
                              buf.at[pl.ds(0, CHUNK), :], sem).wait()
        pltpu.make_async_copy(targets_hbm.at[pl.ds(0, CHUNK)],
                              tgt.at[pl.ds(0, CHUNK)], sem).wait()

    def do_group(buf, tgt, g, mask):
        row = g * L + lane
        t = plsc.load_gather(tgt, [row], mask=mask)
        pairs = []
        for c in range(K):
            cvec = jnp.full((L,), c, jnp.int32)
            v = plsc.load_gather(buf, [row, cvec], mask=mask)
            pairs.append((v, c))
        while len(pairs) > 1:
            nxt = []
            for a in range(0, len(pairs) - 1, 2):
                (va, ia), (vb, ib) = pairs[a], pairs[a + 1]
                m = va >= vb
                if isinstance(ia, int):
                    ia = jnp.full((L,), ia, jnp.int32)
                if isinstance(ib, int):
                    ib = jnp.full((L,), ib, jnp.int32)
                nxt.append((jnp.where(m, va, vb), jnp.where(m, ia, ib)))
            if len(pairs) % 2:
                nxt.append(pairs[-1])
            pairs = nxt
        bi = pairs[0][1]
        binv = (t * K + bi) * L + lane
        plsc.addupdate_scatter(hist, [binv], ones, mask=mask)

    def compute_chunk(buf, tgt):
        @plsc.parallel_loop(0, G_FULL, unroll=UNROLL)
        def _(g):
            do_group(buf, tgt, g, None)

        do_group(buf, tgt, G_FULL, tail_mask)

    start_dma(0, buf0, tgt0, sem0)

    def two_steps(i, _):
        s = 2 * i
        wait_dma(buf0, tgt0, sem0)
        start_dma(s + 1, buf1, tgt1, sem1)
        compute_chunk(buf0, tgt0)
        wait_dma(buf1, tgt1, sem1)
        start_dma(s + 2, buf0, tgt0, sem0)
        compute_chunk(buf1, tgt1)
        return 0

    lax.fori_loop(0, (STEPS - 1) // 2, two_steps, 0)
    wait_dma(buf0, tgt0, sem0)
    compute_chunk(buf0, tgt0)
    pltpu.sync_copy(hist, out_hbm.at[wid])


def _make_sc_hist():
    mesh = plsc.VectorSubcoreMesh(core_axis_name="c", subcore_axis_name="s")
    return pl.kernel(
        _sc_body,
        out_type=jax.ShapeDtypeStruct((NW, KK * L), jnp.float32),
        mesh=mesh,
        scratch_types=[
            pltpu.VMEM((CHUNK + PAD, K), jnp.float32),
            pltpu.VMEM((CHUNK + PAD, K), jnp.float32),
            pltpu.VMEM((CHUNK + PAD,), jnp.int32),
            pltpu.VMEM((CHUNK + PAD,), jnp.int32),
            pltpu.VMEM((KK * L,), jnp.float32),
            pltpu.SemaphoreType.DMA,
            pltpu.SemaphoreType.DMA,
        ],
        compiler_params=pltpu.CompilerParams(needs_layout_passes=False,
                                             use_tc_tiling_on_sc=False),
    )


def _qwk_body(parts_ref, o_ref):
    cm = jnp.sum(parts_ref[...], axis=(0, 3)) / jnp.float32(N)
    mt = jnp.sum(cm, axis=1, keepdims=True)
    mp = jnp.sum(cm, axis=0, keepdims=True)
    expected = mt * mp
    i = lax.broadcasted_iota(jnp.int32, (K, K), 0).astype(jnp.float32)
    j = lax.broadcasted_iota(jnp.int32, (K, K), 1).astype(jnp.float32)
    w = 1.0 - (i - j) ** 2 / float((K - 1) ** 2)
    eps = 1e-07
    po = jnp.sum(w * cm)
    pe = jnp.clip(jnp.sum(w * expected), 0.0, 1.0 - eps)
    qwk = jnp.clip((po - pe) / (1.0 - pe + eps), -1.0, 1.0)
    o_ref[...] = jnp.reshape(1.0 - qwk, (1, 1))


def _qwk_tc(parts):
    out = pl.pallas_call(
        _qwk_body,
        out_shape=jax.ShapeDtypeStruct((1, 1), jnp.float32),
    )(parts)
    return out.reshape(())


@jax.jit
def kernel(logits, targets):
    parts = _make_sc_hist()(logits, targets)
    return _qwk_tc(parts.reshape(NW, K, K, L))

# --- scband reference (transcript-rebuilt; emitter-appended) ---
"""Pipeline reference for scband-qwkloss-45037027066303 (READ-ONLY COPY).

The authoritative reference and input builder live on the scoring server;
editing this copy changes nothing except your own understanding.
"""

import jax, jax.numpy as jnp
import numpy as np

N_CATEGORIES = 10
N_SAMPLES = 4000000


def setup_inputs(seed: int = 0) -> dict:
    key = jax.random.key(seed)
    k1, k2 = jax.random.split(key)
    logits = jax.random.normal(k1, (N_SAMPLES, N_CATEGORIES), dtype=jnp.float32)
    targets = jax.random.randint(k2, (N_SAMPLES,), 0, N_CATEGORIES, dtype=jnp.int32)
    return {"logits": logits, "targets": targets}


def _qwk_weights(k: int) -> jnp.ndarray:
    i = jnp.arange(k, dtype=jnp.float32)
    diff = i[:, None] - i[None, :]
    return 1.0 - diff ** 2 / float((k - 1) ** 2)


def reference(logits, targets):
    K = N_CATEGORIES
    n = targets.shape[0]
    preds = jnp.argmax(logits, axis=-1).astype(jnp.int32)
    indices = targets.astype(jnp.int32) * K + preds
    cm = jnp.bincount(indices, length=K * K)
    cm = cm.reshape(K, K).astype(jnp.float32) / float(n)
    marginal_true = cm.sum(axis=1)
    marginal_pred = cm.sum(axis=0)
    expected = jnp.outer(marginal_true, marginal_pred)
    eps = 1e-07
    w = _qwk_weights(K)
    Po = (w * cm).sum()
    Pe = jnp.clip((w * expected).sum(), 0.0, 1.0 - eps)
    qwk = jnp.clip((Po - Pe) / (1.0 - Pe + eps), -1.0, 1.0)
    return 1.0 - qwk

if __name__ == "__main__":
    import jax
    _d = setup_inputs()
    print(jax.jit(kernel)(*tuple(_d.values())))

</pallas_src>

<mosaic_0001>
#map = affine_map<(d0, d1) -> (0, 0)>
#map1 = affine_map<(d0, d1) -> (0)>
module attributes {stable_mosaic.version = 14 : i64} {
  func.func @_sc_body(%arg0: i32, %arg1: i32, %arg2: memref<4000000x10xf32, #tpu.memory_space<hbm>>, %arg3: memref<4000000xi32, #tpu.memory_space<hbm>>, %arg4: memref<32x1600xf32, #tpu.memory_space<hbm>>, %arg5: memref<1016x10xf32, #tpu.memory_space<vmem>>, %arg6: memref<1016x10xf32, #tpu.memory_space<vmem>>, %arg7: memref<1016xi32, #tpu.memory_space<vmem>>, %arg8: memref<1016xi32, #tpu.memory_space<vmem>>, %arg9: memref<1600xf32, #tpu.memory_space<vmem>>, %arg10: memref<!tpu.dma_semaphore, #tpu.memory_space<semaphore_mem>>, %arg11: memref<!tpu.dma_semaphore, #tpu.memory_space<semaphore_mem>>) attributes {dimension_semantics = [#tpu.dimension_semantics<core_parallel>, #tpu.dimension_semantics<subcore_parallel>], iteration_bounds = array<i64: 2, 16>, scalar_prefetch = 0 : i64, scratch_operands = 7 : i64, tpu.core_type = #tpu.core_type<sc_vector_subcore>, window_params = [{transform_indices = #map}, {transform_indices = #map1}, {transform_indices = #map}]} {
    %mul3A = arith.constant 2 : i32
    %mul3A_0 = arith.muli %arg1, %mul3A : i32
    %add3A = arith.addi %mul3A_0, %arg0 : i32
    %iota3A = tpu.iota {dimensions = array<i32: 0>} : vector<16xi32>
    %broadcast_in_dim3A = arith.constant 1.000000e+00 : f32
    %broadcast_in_dim3A_1 = vector.broadcast %broadcast_in_dim3A : f32 to vector<16xf32>
    %broadcast_in_dim3A_2 = arith.constant 0.000000e+00 : f32
    %broadcast_in_dim3A_3 = vector.broadcast %broadcast_in_dim3A_2 : f32 to vector<16xf32>
    %lt3A = arith.constant 8 : i32
    %lt3A_4 = vector.broadcast %lt3A : i32 to vector<16xi32>
    %lt3A_5 = arith.cmpi slt, %iota3A, %lt3A_4 : vector<16xi32>
    %parallel_loop3A = arith.constant 0 : i32
    %parallel_loop3A_6 = arith.constant 100 : i32
    %parallel_loop3A_7 = arith.constant 1 : i32
    scf.for %parallel_loop3A_141 = %parallel_loop3A to %parallel_loop3A_6 step %parallel_loop3A_7  : i32 {
      %parallel_loop3A_142 = arith.constant 16 : i32
      %parallel_loop3A_143 = arith.muli %parallel_loop3A_141, %parallel_loop3A_142 : i32
      %parallel_loop3A_144 = arith.index_cast %parallel_loop3A_143 : i32 to index
      %parallel_loop3A_145 = tpu.vector_load %arg9[%parallel_loop3A_144] {strides = array<i32>} : memref<1600xf32, #tpu.memory_space<vmem>>, vector<16xf32>,
      tpu.vector_store %arg9[%parallel_loop3A_144], %broadcast_in_dim3A_3 {strides = array<i32>} : memref<1600xf32, #tpu.memory_space<vmem>>, vector<16xf32>,
    } {sc.loop_unroll_factor = 4 : i64, sc.parallel_access}
    %mul3A_8 = arith.constant 125000 : i32
    %mul3A_9 = arith.muli %add3A, %mul3A_8 : i32
    %add3A_10 = arith.constant 0 : i32
    %add3A_11 = arith.addi %mul3A_9, %add3A_10 : i32
    %dma_start3A = arith.constant 0 : i32
    %dma_start3A_12 = arith.constant 0 : i32
    %dma_start3A_13 = tpu.memref_slice %arg5[%dma_start3A, %dma_start3A_12] : memref<1016x10xf32, #tpu.memory_space<vmem>> -> memref<1000x10xf32, #tpu.memory_space<vmem>>
    %dma_start3A_14 = arith.constant 0 : i32
    %dma_start3A_15 = tpu.memref_slice %arg2[%add3A_11, %dma_start3A_14] : memref<4000000x10xf32, #tpu.memory_space<hbm>> -> memref<1000x10xf32, #tpu.memory_space<hbm>>
    %dma_start3A_16 = arith.constant 0 : i32
    %dma_start3A_17 = arith.constant 0 : i32
    %dma_start3A_18 = tpu.memref_slice %arg5[%dma_start3A_16, %dma_start3A_17] : memref<1016x10xf32, #tpu.memory_space<vmem>> -> memref<1000x10xf32, #tpu.memory_space<vmem>>
    %dma_start3A_19 = arith.constant 0 : i32
    %dma_start3A_20 = tpu.memref_slice %arg2[%add3A_11, %dma_start3A_19] : memref<4000000x10xf32, #tpu.memory_space<hbm>> -> memref<1000x10xf32, #tpu.memory_space<hbm>>
    tpu.enqueue_dma source(%dma_start3A_20 : memref<1000x10xf32, #tpu.memory_space<hbm>>) target(%dma_start3A_18 : memref<1000x10xf32, #tpu.memory_space<vmem>>) target_semaphore(%arg10 : memref<!tpu.dma_semaphore, #tpu.memory_space<semaphore_mem>>)
    %dma_start3A_21 = arith.constant 0 : i32
    %dma_start3A_22 = tpu.memref_slice %arg7[%dma_start3A_21] : memref<1016xi32, #tpu.memory_space<vmem>> -> memref<1000xi32, #tpu.memory_space<vmem>>
    %dma_start3A_23 = tpu.memref_slice %arg3[%add3A_11] : memref<4000000xi32, #tpu.memory_space<hbm>> -> memref<1000xi32, #tpu.memory_space<hbm>>
    %dma_start3A_24 = arith.constant 0 : i32
    %dma_start3A_25 = tpu.memref_slice %arg7[%dma_start3A_24] : memref<1016xi32, #tpu.memory_space<vmem>> -> memref<1000xi32, #tpu.memory_space<vmem>>
    %dma_start3A_26 = tpu.memref_slice %arg3[%add3A_11] : memref<4000000xi32, #tpu.memory_space<hbm>> -> memref<1000xi32, #tpu.memory_space<hbm>>
    tpu.enqueue_dma source(%dma_start3A_26 : memref<1000xi32, #tpu.memory_space<hbm>>) target(%dma_start3A_25 : memref<1000xi32, #tpu.memory_space<vmem>>) target_semaphore(%arg10 : memref<!tpu.dma_semaphore, #tpu.memory_space<semaphore_mem>>)
    %scan3A = arith.constant 0 : i32
    %scan3A_27 = arith.constant 0 : i32
    %scan3A_28 = arith.constant 62 : i32
    %scan3A_29 = arith.addi %scan3A_27, %scan3A_28 : i32
    %scan3A_30 = arith.constant 1 : i32
    %scan3A_31 = scf.for %scan3A_141 = %scan3A_27 to %scan3A_29 step %scan3A_30 iter_args(%scan3A_142 = %scan3A) -> (i32)  : i32 {
      %mul3A_143 = arith.constant 2 : i32
      %mul3A_144 = arith.muli %mul3A_143, %scan3A_141 : i32
      %dma_wait3A_145 = arith.constant 0 : i32
      %dma_wait3A_146 = arith.constant 0 : i32
      %dma_wait3A_147 = tpu.memref_slice %arg5[%dma_wait3A_145, %dma_wait3A_146] : memref<1016x10xf32, #tpu.memory_space<vmem>> -> memref<1000x10xf32, #tpu.memory_space<vmem>>
      %dma_wait3A_148 = arith.constant 0 : i32
      %dma_wait3A_149 = arith.constant 0 : i32
      %dma_wait3A_150 = tpu.memref_slice %arg2[%dma_wait3A_148, %dma_wait3A_149] : memref<4000000x10xf32, #tpu.memory_space<hbm>> -> memref<1000x10xf32, #tpu.memory_space<hbm>>
      %dma_wait3A_151 = arith.constant 0 : i32
      %dma_wait3A_152 = arith.constant 0 : i32
      %dma_wait3A_153 = tpu.memref_slice %arg5[%dma_wait3A_151, %dma_wait3A_152] : memref<1016x10xf32, #tpu.memory_space<vmem>> -> memref<1000x10xf32, #tpu.memory_space<vmem>>
      %dma_wait3A_154 = arith.constant 0 : i32
      %dma_wait3A_155 = arith.constant 0 : i32
      %dma_wait3A_156 = tpu.memref_slice %arg2[%dma_wait3A_154, %dma_wait3A_155] : memref<4000000x10xf32, #tpu.memory_space<hbm>> -> memref<1000x10xf32, #tpu.memory_space<hbm>>
      tpu.wait_dma2 semaphore(%arg10 : memref<!tpu.dma_semaphore, #tpu.memory_space<semaphore_mem>>) src(%dma_wait3A_156 : memref<1000x10xf32, #tpu.memory_space<hbm>>) dst(%dma_wait3A_153 : memref<1000x10xf32, #tpu.memory_space<vmem>>)
      %dma_wait3A_157 = arith.constant 0 : i32
      %dma_wait3A_158 = tpu.memref_slice %arg7[%dma_wait3A_157] : memref<1016xi32, #tpu.memory_space<vmem>> -> memref<1000xi32, #tpu.memory_space<vmem>>
      %dma_wait3A_159 = arith.constant 0 : i32
      %dma_wait3A_160 = tpu.memref_slice %arg3[%dma_wait3A_159] : memref<4000000xi32, #tpu.memory_space<hbm>> -> memref<1000xi32, #tpu.memory_space<hbm>>
      %dma_wait3A_161 = arith.constant 0 : i32
      %dma_wait3A_162 = tpu.memref_slice %arg7[%dma_wait3A_161] : memref<1016xi32, #tpu.memory_space<vmem>> -> memref<1000xi32, #tpu.memory_space<vmem>>
      %dma_wait3A_163 = arith.constant 0 : i32
      %dma_wait3A_164 = tpu.memref_slice %arg3[%dma_wait3A_163] : memref<4000000xi32, #tpu.memory_space<hbm>> -> memref<1000xi32, #tpu.memory_space<hbm>>
      tpu.wait_dma2 semaphore(%arg10 : memref<!tpu.dma_semaphore, #tpu.memory_space<semaphore_mem>>) src(%dma_wait3A_164 : memref<1000xi32, #tpu.memory_space<hbm>>) dst(%dma_wait3A_162 : memref<1000xi32, #tpu.memory_space<vmem>>)
      %add3A_165 = arith.constant 1 : i32
      %add3A_166 = arith.addi %mul3A_144, %add3A_165 : i32
      %mul3A_167 = arith.constant 125000 : i32
      %mul3A_168 = arith.muli %add3A, %mul3A_167 : i32
      %mul3A_169 = arith.constant 1000 : i32
      %mul3A_170 = arith.muli %add3A_166, %mul3A_169 : i32
      %add3A_171 = arith.addi %mul3A_168, %mul3A_170 : i32
      %dma_start3A_172 = arith.constant 0 : i32
      %dma_start3A_173 = arith.constant 0 : i32
      %dma_start3A_174 = tpu.memref_slice %arg6[%dma_start3A_172, %dma_start3A_173] : memref<1016x10xf32, #tpu.memory_space<vmem>> -> memref<1000x10xf32, #tpu.memory_space<vmem>>
      %dma_start3A_175 = arith.constant 0 : i32
      %dma_start3A_176 = tpu.memref_slice %arg2[%add3A_171, %dma_start3A_175] : memref<4000000x10xf32, #tpu.memory_space<hbm>> -> memref<1000x10xf32, #tpu.memory_space<hbm>>
      %dma_start3A_177 = arith.constant 0 : i32
      %dma_start3A_178 = arith.constant 0 : i32
      %dma_start3A_179 = tpu.memref_slice %arg6[%dma_start3A_177, %dma_start3A_178] : memref<1016x10xf32, #tpu.memory_space<vmem>> -> memref<1000x10xf32, #tpu.memory_space<vmem>>
      %dma_start3A_180 = arith.constant 0 : i32
      %dma_start3A_181 = tpu.memref_slice %arg2[%add3A_171, %dma_start3A_180] : memref<4000000x10xf32, #tpu.memory_space<hbm>> -> memref<1000x10xf32, #tpu.memory_space<hbm>>
      tpu.enqueue_dma source(%dma_start3A_181 : memref<1000x10xf32, #tpu.memory_space<hbm>>) target(%dma_start3A_179 : memref<1000x10xf32, #tpu.memory_space<vmem>>) target_semaphore(%arg11 : memref<!tpu.dma_semaphore, #tpu.memory_space<semaphore_mem>>)
      %dma_start3A_182 = arith.constant 0 : i32
      %dma_start3A_183 = tpu.memref_slice %arg8[%dma_start3A_182] : memref<1016xi32, #tpu.memory_space<vmem>> -> memref<1000xi32, #tpu.memory_space<vmem>>
      %dma_start3A_184 = tpu.memref_slice %arg3[%add3A_171] : memref<4000000xi32, #tpu.memory_space<hbm>> -> memref<1000xi32, #tpu.memory_space<hbm>>
      %dma_start3A_185 = arith.constant 0 : i32
      %dma_start3A_186 = tpu.memref_slice %arg8[%dma_start3A_185] : memref<1016xi32, #tpu.memory_space<vmem>> -> memref<1000xi32, #tpu.memory_space<vmem>>
      %dma_start3A_187 = tpu.memref_slice %arg3[%add3A_171] : memref<4000000xi32, #tpu.memory_space<hbm>> -> memref<1000xi32, #tpu.memory_space<hbm>>
      tpu.enqueue_dma source(%dma_start3A_187 : memref<1000xi32, #tpu.memory_space<hbm>>) target(%dma_start3A_186 : memref<1000xi32, #tpu.memory_space<vmem>>) target_semaphore(%arg11 : memref<!tpu.dma_semaphore, #tpu.memory_space<semaphore_mem>>)
      %parallel_loop3A_188 = arith.constant 0 : i32
      %parallel_loop3A_189 = arith.constant 62 : i32
      %parallel_loop3A_190 = arith.constant 1 : i32
      scf.for %parallel_loop3A_416 = %parallel_loop3A_188 to %parallel_loop3A_189 step %parallel_loop3A_190  : i32 {
        %parallel_loop3A_417 = arith.constant 16 : i32
        %parallel_loop3A_418 = arith.muli %parallel_loop3A_416, %parallel_loop3A_417 : i32
        %parallel_loop3A_419 = vector.broadcast %parallel_loop3A_418 : i32 to vector<16xi32>
        %parallel_loop3A_420 = arith.addi %parallel_loop3A_419, %iota3A : vector<16xi32>
        %parallel_loop3A_421 = tpu.vector_load_idx %arg7[%parallel_loop3A_420] : memref<1016xi32, #tpu.memory_space<vmem>>[vector<16xi32>], vector<16xi32>,
        %parallel_loop3A_422 = arith.constant 0 : i32
        %parallel_loop3A_423 = vector.broadcast %parallel_loop3A_422 : i32 to vector<16xi32>
        %parallel_loop3A_424 = tpu.vector_load_idx %arg5[%parallel_loop3A_420, %parallel_loop3A_423] : memref<1016x10xf32, #tpu.memory_space<vmem>>[vector<16xi32>, vector<16xi32>], vector<16xf32>,
        %parallel_loop3A_425 = arith.constant 1 : i32
        %parallel_loop3A_426 = vector.broadcast %parallel_loop3A_425 : i32 to vector<16xi32>
        %parallel_loop3A_427 = tpu.vector_load_idx %arg5[%parallel_loop3A_420, %parallel_loop3A_426] : memref<1016x10xf32, #tpu.memory_space<vmem>>[vector<16xi32>, vector<16xi32>], vector<16xf32>,
        %parallel_loop3A_428 = arith.constant 2 : i32
        %parallel_loop3A_429 = vector.broadcast %parallel_loop3A_428 : i32 to vector<16xi32>
        %parallel_loop3A_430 = tpu.vector_load_idx %arg5[%parallel_loop3A_420, %parallel_loop3A_429] : memref<1016x10xf32, #tpu.memory_space<vmem>>[vector<16xi32>, vector<16xi32>], vector<16xf32>,
        %parallel_loop3A_431 = arith.constant 3 : i32
        %parallel_loop3A_432 = vector.broadcast %parallel_loop3A_431 : i32 to vector<16xi32>
        %parallel_loop3A_433 = tpu.vector_load_idx %arg5[%parallel_loop3A_420, %parallel_loop3A_432] : memref<1016x10xf32, #tpu.memory_space<vmem>>[vector<16xi32>, vector<16xi32>], vector<16xf32>,
        %parallel_loop3A_434 = arith.constant 4 : i32
        %parallel_loop3A_435 = vector.broadcast %parallel_loop3A_434 : i32 to vector<16xi32>
        %parallel_loop3A_436 = tpu.vector_load_idx %arg5[%parallel_loop3A_420, %parallel_loop3A_435] : memref<1016x10xf32, #tpu.memory_space<vmem>>[vector<16xi32>, vector<16xi32>], vector<16xf32>,
        %parallel_loop3A_437 = arith.constant 5 : i32
        %parallel_loop3A_438 = vector.broadcast %parallel_loop3A_437 : i32 to vector<16xi32>
        %parallel_loop3A_439 = tpu.vector_load_idx %arg5[%parallel_loop3A_420, %parallel_loop3A_438] : memref<1016x10xf32, #tpu.memory_space<vmem>>[vector<16xi32>, vector<16xi32>], vector<16xf32>,
        %parallel_loop3A_440 = arith.constant 6 : i32
        %parallel_loop3A_441 = vector.broadcast %parallel_loop3A_440 : i32 to vector<16xi32>
        %parallel_loop3A_442 = tpu.vector_load_idx %arg5[%parallel_loop3A_420, %parallel_loop3A_441] : memref<1016x10xf32, #tpu.memory_space<vmem>>[vector<16xi32>, vector<16xi32>], vector<16xf32>,
        %parallel_loop3A_443 = arith.constant 7 : i32
        %parallel_loop3A_444 = vector.broadcast %parallel_loop3A_443 : i32 to vector<16xi32>
        %parallel_loop3A_445 = tpu.vector_load_idx %arg5[%parallel_loop3A_420, %parallel_loop3A_444] : memref<1016x10xf32, #tpu.memory_space<vmem>>[vector<16xi32>, vector<16xi32>], vector<16xf32>,
        %parallel_loop3A_446 = arith.constant 8 : i32
        %parallel_loop3A_447 = vector.broadcast %parallel_loop3A_446 : i32 to vector<16xi32>
        %parallel_loop3A_448 = tpu.vector_load_idx %arg5[%parallel_loop3A_420, %parallel_loop3A_447] : memref<1016x10xf32, #tpu.memory_space<vmem>>[vector<16xi32>, vector<16xi32>], vector<16xf32>,
        %parallel_loop3A_449 = arith.constant 9 : i32
        %parallel_loop3A_450 = vector.broadcast %parallel_loop3A_449 : i32 to vector<16xi32>
        %parallel_loop3A_451 = tpu.vector_load_idx %arg5[%parallel_loop3A_420, %parallel_loop3A_450] : memref<1016x10xf32, #tpu.memory_space<vmem>>[vector<16xi32>, vector<16xi32>], vector<16xf32>,
        %parallel_loop3A_452 = arith.cmpf oge, %parallel_loop3A_424, %parallel_loop3A_427 : vector<16xf32>
        %parallel_loop3A_453 = arith.constant 0 : i32
        %parallel_loop3A_454 = vector.broadcast %parallel_loop3A_453 : i32 to vector<16xi32>
        %parallel_loop3A_455 = arith.constant 1 : i32
        %parallel_loop3A_456 = vector.broadcast %parallel_loop3A_455 : i32 to vector<16xi32>
        %parallel_loop3A_457 = arith.select %parallel_loop3A_452, %parallel_loop3A_424, %parallel_loop3A_427 : vector<16xi1>, vector<16xf32>
        %parallel_loop3A_458 = arith.select %parallel_loop3A_452, %parallel_loop3A_454, %parallel_loop3A_456 : vector<16xi1>, vector<16xi32>
        %parallel_loop3A_459 = arith.cmpf oge, %parallel_loop3A_430, %parallel_loop3A_433 : vector<16xf32>
        %parallel_loop3A_460 = arith.constant 2 : i32
        %parallel_loop3A_461 = vector.broadcast %parallel_loop3A_460 : i32 to vector<16xi32>
        %parallel_loop3A_462 = arith.constant 3 : i32
        %parallel_loop3A_463 = vector.broadcast %parallel_loop3A_462 : i32 to vector<16xi32>
        %parallel_loop3A_464 = arith.select %parallel_loop3A_459, %parallel_loop3A_430, %parallel_loop3A_433 : vector<16xi1>, vector<16xf32>
        %parallel_loop3A_465 = arith.select %parallel_loop3A_459, %parallel_loop3A_461, %parallel_loop3A_463 : vector<16xi1>, vector<16xi32>
        %parallel_loop3A_466 = arith.cmpf oge, %parallel_loop3A_436, %parallel_loop3A_439 : vector<16xf32>
        %parallel_loop3A_467 = arith.constant 4 : i32
        %parallel_loop3A_468 = vector.broadcast %parallel_loop3A_467 : i32 to vector<16xi32>
        %parallel_loop3A_469 = arith.constant 5 : i32
        %parallel_loop3A_470 = vector.broadcast %parallel_loop3A_469 : i32 to vector<16xi32>
        %parallel_loop3A_471 = arith.select %parallel_loop3A_466, %parallel_loop3A_436, %parallel_loop3A_439 : vector<16xi1>, vector<16xf32>
        %parallel_loop3A_472 = arith.select %parallel_loop3A_466, %parallel_loop3A_468, %parallel_loop3A_470 : vector<16xi1>, vector<16xi32>
        %parallel_loop3A_473 = arith.cmpf oge, %parallel_loop3A_442, %parallel_loop3A_445 : vector<16xf32>
        %parallel_loop3A_474 = arith.constant 6 : i32
        %parallel_loop3A_475 = vector.broadcast %parallel_loop3A_474 : i32 to vector<16xi32>
        %parallel_loop3A_476 = arith.constant 7 : i32
        %parallel_loop3A_477 = vector.broadcast %parallel_loop3A_476 : i32 to vector<16xi32>
        %parallel_loop3A_478 = arith.select %parallel_loop3A_473, %parallel_loop3A_442, %parallel_loop3A_445 : vector<16xi1>, vector<16xf32>
        %parallel_loop3A_479 = arith.select %parallel_loop3A_473, %parallel_loop3A_475, %parallel_loop3A_477 : vector<16xi1>, vector<16xi32>
        %parallel_loop3A_480 = arith.cmpf oge, %parallel_loop3A_448, %parallel_loop3A_451 : vector<16xf32>
        %parallel_loop3A_481 = arith.constant 8 : i32
        %parallel_loop3A_482 = vector.broadcast %parallel_loop3A_481 : i32 to vector<16xi32>
        %parallel_loop3A_483 = arith.constant 9 : i32
        %parallel_loop3A_484 = vector.broadcast %parallel_loop3A_483 : i32 to vector<16xi32>
        %parallel_loop3A_485 = arith.select %parallel_loop3A_480, %parallel_loop3A_448, %parallel_loop3A_451 : vector<16xi1>, vector<16xf32>
        %parallel_loop3A_486 = arith.select %parallel_loop3A_480, %parallel_loop3A_482, %parallel_loop3A_484 : vector<16xi1>, vector<16xi32>
        %parallel_loop3A_487 = arith.cmpf oge, %parallel_loop3A_457, %parallel_loop3A_464 : vector<16xf32>
        %parallel_loop3A_488 = arith.select %parallel_loop3A_487, %parallel_loop3A_457, %parallel_loop3A_464 : vector<16xi1>, vector<16xf32>
        %parallel_loop3A_489 = arith.select %parallel_loop3A_487, %parallel_loop3A_458, %parallel_loop3A_465 : vector<16xi1>, vector<16xi32>
        %parallel_loop3A_490 = arith.cmpf oge, %parallel_loop3A_471, %parallel_loop3A_478 : vector<16xf32>
        %parallel_loop3A_491 = arith.select %parallel_loop3A_490, %parallel_loop3A_471, %parallel_loop3A_478 : vector<16xi1>, vector<16xf32>
        %parallel_loop3A_492 = arith.select %parallel_loop3A_490, %parallel_loop3A_472, %parallel_loop3A_479 : vector<16xi1>, vector<16xi32>
        %parallel_loop3A_493 = arith.cmpf oge, %parallel_loop3A_488, %parallel_loop3A_491 : vector<16xf32>
        %parallel_loop3A_494 = arith.select %parallel_loop3A_493, %parallel_loop3A_488, %parallel_loop3A_491 : vector<16xi1>, vector<16xf32>
        %parallel_loop3A_495 = arith.select %parallel_loop3A_493, %parallel_loop3A_489, %parallel_loop3A_492 : vector<16xi1>, vector<16xi32>
        %parallel_loop3A_496 = arith.cmpf oge, %parallel_loop3A_494, %parallel_loop3A_485 : vector<16xf32>
        %parallel_loop3A_497 = arith.select %parallel_loop3A_496, %parallel_loop3A_494, %parallel_loop3A_485 : vector<16xi1>, vector<16xf32>
        %parallel_loop3A_498 = arith.select %parallel_loop3A_496, %parallel_loop3A_495, %parallel_loop3A_486 : vector<16xi1>, vector<16xi32>
        %parallel_loop3A_499 = arith.constant 10 : i32
        %parallel_loop3A_500 = vector.broadcast %parallel_loop3A_499 : i32 to vector<16xi32>
        %parallel_loop3A_501 = arith.muli %parallel_loop3A_421, %parallel_loop3A_500 : vector<16xi32>
        %parallel_loop3A_502 = arith.addi %parallel_loop3A_501, %parallel_loop3A_498 : vector<16xi32>
        %parallel_loop3A_503 = arith.constant 16 : i32
        %parallel_loop3A_504 = vector.broadcast %parallel_loop3A_503 : i32 to vector<16xi32>
        %parallel_loop3A_505 = arith.muli %parallel_loop3A_502, %parallel_loop3A_504 : vector<16xi32>
        %parallel_loop3A_506 = arith.addi %parallel_loop3A_505, %iota3A : vector<16xi32>
        tpu.vector_store_idx %arg9[%parallel_loop3A_506], %broadcast_in_dim3A_1 {add = true} : memref<1600xf32, #tpu.memory_space<vmem>>[vector<16xi32>], vector<16xf32>,
      } {sc.loop_unroll_factor = 2 : i64, sc.parallel_access}
      %add3A_191 = arith.constant 992 : i32
      %add3A_192 = vector.broadcast %add3A_191 : i32 to vector<16xi32>
      %add3A_193 = arith.addi %add3A_192, %iota3A : vector<16xi32>
      %gather3A_194 = tpu.vector_load_idx %arg7[%add3A_193] masked %lt3A_5 : memref<1016xi32, #tpu.memory_space<vmem>>[vector<16xi32>], vector<16xi32>, vector<16xi1>
      %broadcast_in_dim3A_195 = arith.constant 0 : i32
      %broadcast_in_dim3A_196 = vector.broadcast %broadcast_in_dim3A_195 : i32 to vector<16xi32>
      %gather3A_197 = tpu.vector_load_idx %arg5[%add3A_193, %broadcast_in_dim3A_196] masked %lt3A_5 : memref<1016x10xf32, #tpu.memory_space<vmem>>[vector<16xi32>, vector<16xi32>], vector<16xf32>, vector<16xi1>
      %broadcast_in_dim3A_198 = arith.constant 1 : i32
      %broadcast_in_dim3A_199 = vector.broadcast %broadcast_in_dim3A_198 : i32 to vector<16xi32>
      %gather3A_200 = tpu.vector_load_idx %arg5[%add3A_193, %broadcast_in_dim3A_199] masked %lt3A_5 : memref<1016x10xf32, #tpu.memory_space<vmem>>[vector<16xi32>, vector<16xi32>], vector<16xf32>, vector<16xi1>
      %broadcast_in_dim3A_201 = arith.constant 2 : i32
      %broadcast_in_dim3A_202 = vector.broadcast %broadcast_in_dim3A_201 : i32 to vector<16xi32>
      %gather3A_203 = tpu.vector_load_idx %arg5[%add3A_193, %broadcast_in_dim3A_202] masked %lt3A_5 : memref<1016x10xf32, #tpu.memory_space<vmem>>[vector<16xi32>, vector<16xi32>], vector<16xf32>, vector<16xi1>
      %broadcast_in_dim3A_204 = arith.constant 3 : i32
      %broadcast_in_dim3A_205 = vector.broadcast %broadcast_in_dim3A_204 : i32 to vector<16xi32>
      %gather3A_206 = tpu.vector_load_idx %arg5[%add3A_193, %broadcast_in_dim3A_205] masked %lt3A_5 : memref<1016x10xf32, #tpu.memory_space<vmem>>[vector<16xi32>, vector<16xi32>], vector<16xf32>, vector<16xi1>
      %broadcast_in_dim3A_207 = arith.constant 4 : i32
      %broadcast_in_dim3A_208 = vector.broadcast %broadcast_in_dim3A_207 : i32 to vector<16xi32>
      %gather3A_209 = tpu.vector_load_idx %arg5[%add3A_193, %broadcast_in_dim3A_208] masked %lt3A_5 : memref<1016x10xf32, #tpu.memory_space<vmem>>[vector<16xi32>, vector<16xi32>], vector<16xf32>, vector<16xi1>
      %broadcast_in_dim3A_210 = arith.constant 5 : i32
      %broadcast_in_dim3A_211 = vector.broadcast %broadcast_in_dim3A_210 : i32 to vector<16xi32>
      %gather3A_212 = tpu.vector_load_idx %arg5[%add3A_193, %broadcast_in_dim3A_211] masked %lt3A_5 : memref<1016x10xf32, #tpu.memory_space<vmem>>[vector<16xi32>, vector<16xi32>], vector<16xf32>, vector<16xi1>
      %broadcast_in_dim3A_213 = arith.constant 6 : i32
      %broadcast_in_dim3A_214 = vector.broadcast %broadcast_in_dim3A_213 : i32 to vector<16xi32>
      %gather3A_215 = tpu.vector_load_idx %arg5[%add3A_193, %broadcast_in_dim3A_214] masked %lt3A_5 : memref<1016x10xf32, #tpu.memory_space<vmem>>[vector<16xi32>, vector<16xi32>], vector<16xf32>, vector<16xi1>
      %broadcast_in_dim3A_216 = arith.constant 7 : i32
      %broadcast_in_dim3A_217 = vector.broadcast %broadcast_in_dim3A_216 : i32 to vector<16xi32>
      %gather3A_218 = tpu.vector_load_idx %arg5[%add3A_193, %broadcast_in_dim3A_217] masked %lt3A_5 : memref<1016x10xf32, #tpu.memory_space<vmem>>[vector<16xi32>, vector<16xi32>], vector<16xf32>, vector<16xi1>
      %broadcast_in_dim3A_219 = arith.constant 8 : i32
      %broadcast_in_dim3A_220 = vector.broadcast %broadcast_in_dim3A_219 : i32 to vector<16xi32>
      %gather3A_221 = tpu.vector_load_idx %arg5[%add3A_193, %broadcast_in_dim3A_220] masked %lt3A_5 : memref<1016x10xf32, #tpu.memory_space<vmem>>[vector<16xi32>, vector<16xi32>], vector<16xf32>, vector<16xi1>
      %broadcast_in_dim3A_222 = arith.constant 9 : i32
      %broadcast_in_dim3A_223 = vector.broadcast %broadcast_in_dim3A_222 : i32 to vector<16xi32>
      %gather3A_224 = tpu.vector_load_idx %arg5[%add3A_193, %broadcast_in_dim3A_223] masked %lt3A_5 : memref<1016x10xf32, #tpu.memory_space<vmem>>[vector<16xi32>, vector<16xi32>], vector<16xf32>, vector<16xi1>
      %ge3A_225 = arith.cmpf oge, %gather3A_197, %gather3A_200 : vector<16xf32>
      %broadcast_in_dim3A_226 = arith.constant 0 : i32
      %broadcast_in_dim3A_227 = vector.broadcast %broadcast_in_dim3A_226 : i32 to vector<16xi32>
      %broadcast_in_dim3A_228 = arith.constant 1 : i32
      %broadcast_in_dim3A_229 = vector.broadcast %broadcast_in_dim3A_228 : i32 to vector<16xi32>
      %select_n3A_230 = arith.select %ge3A_225, %gather3A_197, %gather3A_200 : vector<16xi1>, vector<16xf32>
      %select_n3A_231 = arith.select %ge3A_225, %broadcast_in_dim3A_227, %broadcast_in_dim3A_229 : vector<16xi1>, vector<16xi32>
      %ge3A_232 = arith.cmpf oge, %gather3A_203, %gather3A_206 : vector<16xf32>
      %broadcast_in_dim3A_233 = arith.constant 2 : i32
      %broadcast_in_dim3A_234 = vector.broadcast %broadcast_in_dim3A_233 : i32 to vector<16xi32>
      %broadcast_in_dim3A_235 = arith.constant 3 : i32
      %broadcast_in_dim3A_236 = vector.broadcast %broadcast_in_dim3A_235 : i32 to vector<16xi32>
      %select_n3A_237 = arith.select %ge3A_232, %gather3A_203, %gather3A_206 : vector<16xi1>, vector<16xf32>
      %select_n3A_238 = arith.select %ge3A_232, %broadcast_in_dim3A_234, %broadcast_in_dim3A_236 : vector<16xi1>, vector<16xi32>
      %ge3A_239 = arith.cmpf oge, %gather3A_209, %gather3A_212 : vector<16xf32>
      %broadcast_in_dim3A_240 = arith.constant 4 : i32
      %broadcast_in_dim3A_241 = vector.broadcast %broadcast_in_dim3A_240 : i32 to vector<16xi32>
      %broadcast_in_dim3A_242 = arith.constant 5 : i32
      %broadcast_in_dim3A_243 = vector.broadcast %broadcast_in_dim3A_242 : i32 to vector<16xi32>
      %select_n3A_244 = arith.select %ge3A_239, %gather3A_209, %gather3A_212 : vector<16xi1>, vector<16xf32>
      %select_n3A_245 = arith.select %ge3A_239, %broadcast_in_dim3A_241, %broadcast_in_dim3A_243 : vector<16xi1>, vector<16xi32>
      %ge3A_246 = arith.cmpf oge, %gather3A_215, %gather3A_218 : vector<16xf32>
      %broadcast_in_dim3A_247 = arith.constant 6 : i32
      %broadcast_in_dim3A_248 = vector.broadcast %broadcast_in_dim3A_247 : i32 to vector<16xi32>
      %broadcast_in_dim3A_249 = arith.constant 7 : i32
      %broadcast_in_dim3A_250 = vector.broadcast %broadcast_in_dim3A_249 : i32 to vector<16xi32>
      %select_n3A_251 = arith.select %ge3A_246, %gather3A_215, %gather3A_218 : vector<16xi1>, vector<16xf32>
      %select_n3A_252 = arith.select %ge3A_246, %broadcast_in_dim3A_248, %broadcast_in_dim3A_250 : vector<16xi1>, vector<16xi32>
      %ge3A_253 = arith.cmpf oge, %gather3A_221, %gather3A_224 : vector<16xf32>
      %broadcast_in_dim3A_254 = arith.constant 8 : i32
      %broadcast_in_dim3A_255 = vector.broadcast %broadcast_in_dim3A_254 : i32 to vector<16xi32>
      %broadcast_in_dim3A_256 = arith.constant 9 : i32
      %broadcast_in_dim3A_257 = vector.broadcast %broadcast_in_dim3A_256 : i32 to vector<16xi32>
      %select_n3A_258 = arith.select %ge3A_253, %gather3A_221, %gather3A_224 : vector<16xi1>, vector<16xf32>
      %select_n3A_259 = arith.select %ge3A_253, %broadcast_in_dim3A_255, %broadcast_in_dim3A_257 : vector<16xi1>, vector<16xi32>
      %ge3A_260 = arith.cmpf oge, %select_n3A_230, %select_n3A_237 : vector<16xf32>
      %select_n3A_261 = arith.select %ge3A_260, %select_n3A_230, %select_n3A_237 : vector<16xi1>, vector<16xf32>
      %select_n3A_262 = arith.select %ge3A_260, %select_n3A_231, %select_n3A_238 : vector<16xi1>, vector<16xi32>
      %ge3A_263 = arith.cmpf oge, %select_n3A_244, %select_n3A_251 : vector<16xf32>
      %select_n3A_264 = arith.select %ge3A_263, %select_n3A_244, %select_n3A_251 : vector<16xi1>, vector<16xf32>
      %select_n3A_265 = arith.select %ge3A_263, %select_n3A_245, %select_n3A_252 : vector<16xi1>, vector<16xi32>
      %ge3A_266 = arith.cmpf oge, %select_n3A_261, %select_n3A_264 : vector<16xf32>
      %select_n3A_267 = arith.select %ge3A_266, %select_n3A_261, %select_n3A_264 : vector<16xi1>, vector<16xf32>
      %select_n3A_268 = arith.select %ge3A_266, %select_n3A_262, %select_n3A_265 : vector<16xi1>, vector<16xi32>
      %ge3A_269 = arith.cmpf oge, %select_n3A_267, %select_n3A_258 : vector<16xf32>
      %select_n3A_270 = arith.select %ge3A_269, %select_n3A_267, %select_n3A_258 : vector<16xi1>, vector<16xf32>
      %select_n3A_271 = arith.select %ge3A_269, %select_n3A_268, %select_n3A_259 : vector<16xi1>, vector<16xi32>
      %mul3A_272 = arith.constant 10 : i32
      %mul3A_273 = vector.broadcast %mul3A_272 : i32 to vector<16xi32>
      %mul3A_274 = arith.muli %gather3A_194, %mul3A_273 : vector<16xi32>
      %add3A_275 = arith.addi %mul3A_274, %select_n3A_271 : vector<16xi32>
      %mul3A_276 = arith.constant 16 : i32
      %mul3A_277 = vector.broadcast %mul3A_276 : i32 to vector<16xi32>
      %mul3A_278 = arith.muli %add3A_275, %mul3A_277 : vector<16xi32>
      %add3A_279 = arith.addi %mul3A_278, %iota3A : vector<16xi32>
      tpu.vector_store_idx %arg9[%add3A_279], %broadcast_in_dim3A_1 masked %lt3A_5 {add = true} : memref<1600xf32, #tpu.memory_space<vmem>>[vector<16xi32>], vector<16xf32>, vector<16xi1>
      %dma_wait3A_280 = arith.constant 0 : i32
      %dma_wait3A_281 = arith.constant 0 : i32
      %dma_wait3A_282 = tpu.memref_slice %arg6[%dma_wait3A_280, %dma_wait3A_281] : memref<1016x10xf32, #tpu.memory_space<vmem>> -> memref<1000x10xf32, #tpu.memory_space<vmem>>
      %dma_wait3A_283 = arith.constant 0 : i32
      %dma_wait3A_284 = arith.constant 0 : i32
      %dma_wait3A_285 = tpu.memref_slice %arg2[%dma_wait3A_283, %dma_wait3A_284] : memref<4000000x10xf32, #tpu.memory_space<hbm>> -> memref<1000x10xf32, #tpu.memory_space<hbm>>
      %dma_wait3A_286 = arith.constant 0 : i32
      %dma_wait3A_287 = arith.constant 0 : i32
      %dma_wait3A_288 = tpu.memref_slice %arg6[%dma_wait3A_286, %dma_wait3A_287] : memref<1016x10xf32, #tpu.memory_space<vmem>> -> memref<1000x10xf32, #tpu.memory_space<vmem>>
      %dma_wait3A_289 = arith.constant 0 : i32
      %dma_wait3A_290 = arith.constant 0 : i32
      %dma_wait3A_291 = tpu.memref_slice %arg2[%dma_wait3A_289, %dma_wait3A_290] : memref<4000000x10xf32, #tpu.memory_space<hbm>> -> memref<1000x10xf32, #tpu.memory_space<hbm>>
      tpu.wait_dma2 semaphore(%arg11 : memref<!tpu.dma_semaphore, #tpu.memory_space<semaphore_mem>>) src(%dma_wait3A_291 : memref<1000x10xf32, #tpu.memory_space<hbm>>) dst(%dma_wait3A_288 : memref<1000x10xf32, #tpu.memory_space<vmem>>)
      %dma_wait3A_292 = arith.constant 0 : i32
      %dma_wait3A_293 = tpu.memref_slice %arg8[%dma_wait3A_292] : memref<1016xi32, #tpu.memory_space<vmem>> -> memref<1000xi32, #tpu.memory_space<vmem>>
      %dma_wait3A_294 = arith.constant 0 : i32
      %dma_wait3A_295 = tpu.memref_slice %arg3[%dma_wait3A_294] : memref<4000000xi32, #tpu.memory_space<hbm>> -> memref<1000xi32, #tpu.memory_space<hbm>>
      %dma_wait3A_296 = arith.constant 0 : i32
      %dma_wait3A_297 = tpu.memref_slice %arg8[%dma_wait3A_296] : memref<1016xi32, #tpu.memory_space<vmem>> -> memref<1000xi32, #tpu.memory_space<vmem>>
      %dma_wait3A_298 = arith.constant 0 : i32
      %dma_wait3A_299 = tpu.memref_slice %arg3[%dma_wait3A_298] : memref<4000000xi32, #tpu.memory_space<hbm>> -> memref<1000xi32, #tpu.memory_space<hbm>>
      tpu.wait_dma2 semaphore(%arg11 : memref<!tpu.dma_semaphore, #tpu.memory_space<semaphore_mem>>) src(%dma_wait3A_299 : memref<1000xi32, #tpu.memory_space<hbm>>) dst(%dma_wait3A_297 : memref<1000xi32, #tpu.memory_space<vmem>>)
      %add3A_300 = arith.constant 2 : i32
      %add3A_301 = arith.addi %mul3A_144, %add3A_300 : i32
      %mul3A_302 = arith.constant 125000 : i32
      %mul3A_303 = arith.muli %add3A, %mul3A_302 : i32
      %mul3A_304 = arith.constant 1000 : i32
      %mul3A_305 = arith.muli %add3A_301, %mul3A_304 : i32
      %add3A_306 = arith.addi %mul3A_303, %mul3A_305 : i32
      %dma_start3A_307 = arith.constant 0 : i32
      %dma_start3A_308 = arith.constant 0 : i32
      %dma_start3A_309 = tpu.memref_slice %arg5[%dma_start3A_307, %dma_start3A_308] : memref<1016x10xf32, #tpu.memory_space<vmem>> -> memref<1000x10xf32, #tpu.memory_space<vmem>>
      %dma_start3A_310 = arith.constant 0 : i32
      %dma_start3A_311 = tpu.memref_slice %arg2[%add3A_306, %dma_start3A_310] : memref<4000000x10xf32, #tpu.memory_space<hbm>> -> memref<1000x10xf32, #tpu.memory_space<hbm>>
      %dma_start3A_312 = arith.constant 0 : i32
      %dma_start3A_313 = arith.constant 0 : i32
      %dma_start3A_314 = tpu.memref_slice %arg5[%dma_start3A_312, %dma_start3A_313] : memref<1016x10xf32, #tpu.memory_space<vmem>> -> memref<1000x10xf32, #tpu.memory_space<vmem>>
      %dma_start3A_315 = arith.constant 0 : i32
      %dma_start3A_316 = tpu.memref_slice %arg2[%add3A_306, %dma_start3A_315] : memref<4000000x10xf32, #tpu.memory_space<hbm>> -> memref<1000x10xf32, #tpu.memory_space<hbm>>
      tpu.enqueue_dma source(%dma_start3A_316 : memref<1000x10xf32, #tpu.memory_space<hbm>>) target(%dma_start3A_314 : memref<1000x10xf32, #tpu.memory_space<vmem>>) target_semaphore(%arg10 : memref<!tpu.dma_semaphore, #tpu.memory_space<semaphore_mem>>)
      %dma_start3A_317 = arith.constant 0 : i32
      %dma_start3A_318 = tpu.memref_slice %arg7[%dma_start3A_317] : memref<1016xi32, #tpu.memory_space<vmem>> -> memref<1000xi32, #tpu.memory_space<vmem>>
      %dma_start3A_319 = tpu.memref_slice %arg3[%add3A_306] : memref<4000000xi32, #tpu.memory_space<hbm>> -> memref<1000xi32, #tpu.memory_space<hbm>>
      %dma_start3A_320 = arith.constant 0 : i32
      %dma_start3A_321 = tpu.memref_slice %arg7[%dma_start3A_320] : memref<1016xi32, #tpu.memory_space<vmem>> -> memref<1000xi32, #tpu.memory_space<vmem>>
      %dma_start3A_322 = tpu.memref_slice %arg3[%add3A_306] : memref<4000000xi32, #tpu.memory_space<hbm>> -> memref<1000xi32, #tpu.memory_space<hbm>>
      tpu.enqueue_dma source(%dma_start3A_322 : memref<1000xi32, #tpu.memory_space<hbm>>) target(%dma_start3A_321 : memref<1000xi32, #tpu.memory_space<vmem>>) target_semaphore(%arg10 : memref<!tpu.dma_semaphore, #tpu.memory_space<semaphore_mem>>)
      %parallel_loop3A_323 = arith.constant 0 : i32
      %parallel_loop3A_324 = arith.constant 62 : i32
      %parallel_loop3A_325 = arith.constant 1 : i32
      scf.for %parallel_loop3A_416 = %parallel_loop3A_323 to %parallel_loop3A_324 step %parallel_loop3A_325  : i32 {
        %parallel_loop3A_417 = arith.constant 16 : i32
        %parallel_loop3A_418 = arith.muli %parallel_loop3A_416, %parallel_loop3A_417 : i32
        %parallel_loop3A_419 = vector.broadcast %parallel_loop3A_418 : i32 to vector<16xi32>
        %parallel_loop3A_420 = arith.addi %parallel_loop3A_419, %iota3A : vector<16xi32>
        %parallel_loop3A_421 = tpu.vector_load_idx %arg8[%parallel_loop3A_420] : memref<1016xi32, #tpu.memory_space<vmem>>[vector<16xi32>], vector<16xi32>,
        %parallel_loop3A_422 = arith.constant 0 : i32
        %parallel_loop3A_423 = vector.broadcast %parallel_loop3A_422 : i32 to vector<16xi32>
        %parallel_loop3A_424 = tpu.vector_load_idx %arg6[%parallel_loop3A_420, %parallel_loop3A_423] : memref<1016x10xf32, #tpu.memory_space<vmem>>[vector<16xi32>, vector<16xi32>], vector<16xf32>,
        %parallel_loop3A_425 = arith.constant 1 : i32
        %parallel_loop3A_426 = vector.broadcast %parallel_loop3A_425 : i32 to vector<16xi32>
        %parallel_loop3A_427 = tpu.vector_load_idx %arg6[%parallel_loop3A_420, %parallel_loop3A_426] : memref<1016x10xf32, #tpu.memory_space<vmem>>[vector<16xi32>, vector<16xi32>], vector<16xf32>,
        %parallel_loop3A_428 = arith.constant 2 : i32
        %parallel_loop3A_429 = vector.broadcast %parallel_loop3A_428 : i32 to vector<16xi32>
        %parallel_loop3A_430 = tpu.vector_load_idx %arg6[%parallel_loop3A_420, %parallel_loop3A_429] : memref<1016x10xf32, #tpu.memory_space<vmem>>[vector<16xi32>, vector<16xi32>], vector<16xf32>,
        %parallel_loop3A_431 = arith.constant 3 : i32
        %parallel_loop3A_432 = vector.broadcast %parallel_loop3A_431 : i32 to vector<16xi32>
        %parallel_loop3A_433 = tpu.vector_load_idx %arg6[%parallel_loop3A_420, %parallel_loop3A_432] : memref<1016x10xf32, #tpu.memory_space<vmem>>[vector<16xi32>, vector<16xi32>], vector<16xf32>,
        %parallel_loop3A_434 = arith.constant 4 : i32
        %parallel_loop3A_435 = vector.broadcast %parallel_loop3A_434 : i32 to vector<16xi32>
        %parallel_loop3A_436 = tpu.vector_load_idx %arg6[%parallel_loop3A_420, %parallel_loop3A_435] : memref<1016x10xf32, #tpu.memory_space<vmem>>[vector<16xi32>, vector<16xi32>], vector<16xf32>,
        %parallel_loop3A_437 = arith.constant 5 : i32
        %parallel_loop3A_438 = vector.broadcast %parallel_loop3A_437 : i32 to vector<16xi32>
        %parallel_loop3A_439 = tpu.vector_load_idx %arg6[%parallel_loop3A_420, %parallel_loop3A_438] : memref<1016x10xf32, #tpu.memory_space<vmem>>[vector<16xi32>, vector<16xi32>], vector<16xf32>,
        %parallel_loop3A_440 = arith.constant 6 : i32
        %parallel_loop3A_441 = vector.broadcast %parallel_loop3A_440 : i32 to vector<16xi32>
        %parallel_loop3A_442 = tpu.vector_load_idx %arg6[%parallel_loop3A_420, %parallel_loop3A_441] : memref<1016x10xf32, #tpu.memory_space<vmem>>[vector<16xi32>, vector<16xi32>], vector<16xf32>,
        %parallel_loop3A_443 = arith.constant 7 : i32
        %parallel_loop3A_444 = vector.broadcast %parallel_loop3A_443 : i32 to vector<16xi32>
        %parallel_loop3A_445 = tpu.vector_load_idx %arg6[%parallel_loop3A_420, %parallel_loop3A_444] : memref<1016x10xf32, #tpu.memory_space<vmem>>[vector<16xi32>, vector<16xi32>], vector<16xf32>,
        %parallel_loop3A_446 = arith.constant 8 : i32
        %parallel_loop3A_447 = vector.broadcast %parallel_loop3A_446 : i32 to vector<16xi32>
        %parallel_loop3A_448 = tpu.vector_load_idx %arg6[%parallel_loop3A_420, %parallel_loop3A_447] : memref<1016x10xf32, #tpu.memory_space<vmem>>[vector<16xi32>, vector<16xi32>], vector<16xf32>,
        %parallel_loop3A_449 = arith.constant 9 : i32
        %parallel_loop3A_450 = vector.broadcast %parallel_loop3A_449 : i32 to vector<16xi32>
        %parallel_loop3A_451 = tpu.vector_load_idx %arg6[%parallel_loop3A_420, %parallel_loop3A_450] : memref<1016x10xf32, #tpu.memory_space<vmem>>[vector<16xi32>, vector<16xi32>], vector<16xf32>,
        %parallel_loop3A_452 = arith.cmpf oge, %parallel_loop3A_424, %parallel_loop3A_427 : vector<16xf32>
        %parallel_loop3A_453 = arith.constant 0 : i32
        %parallel_loop3A_454 = vector.broadcast %parallel_loop3A_453 : i32 to vector<16xi32>
        %parallel_loop3A_455 = arith.constant 1 : i32
        %parallel_loop3A_456 = vector.broadcast %parallel_loop3A_455 : i32 to vector<16xi32>
        %parallel_loop3A_457 = arith.select %parallel_loop3A_452, %parallel_loop3A_424, %parallel_loop3A_427 : vector<16xi1>, vector<16xf32>
        %parallel_loop3A_458 = arith.select %parallel_loop3A_452, %parallel_loop3A_454, %parallel_loop3A_456 : vector<16xi1>, vector<16xi32>
        %parallel_loop3A_459 = arith.cmpf oge, %parallel_loop3A_430, %parallel_loop3A_433 : vector<16xf32>
        %parallel_loop3A_460 = arith.constant 2 : i32
        %parallel_loop3A_461 = vector.broadcast %parallel_loop3A_460 : i32 to vector<16xi32>
        %parallel_loop3A_462 = arith.constant 3 : i32
        %parallel_loop3A_463 = vector.broadcast %parallel_loop3A_462 : i32 to vector<16xi32>
        %parallel_loop3A_464 = arith.select %parallel_loop3A_459, %parallel_loop3A_430, %parallel_loop3A_433 : vector<16xi1>, vector<16xf32>
        %parallel_loop3A_465 = arith.select %parallel_loop3A_459, %parallel_loop3A_461, %parallel_loop3A_463 : vector<16xi1>, vector<16xi32>
        %parallel_loop3A_466 = arith.cmpf oge, %parallel_loop3A_436, %parallel_loop3A_439 : vector<16xf32>
        %parallel_loop3A_467 = arith.constant 4 : i32
        %parallel_loop3A_468 = vector.broadcast %parallel_loop3A_467 : i32 to vector<16xi32>
        %parallel_loop3A_469 = arith.constant 5 : i32
        %parallel_loop3A_470 = vector.broadcast %parallel_loop3A_469 : i32 to vector<16xi32>
        %parallel_loop3A_471 = arith.select %parallel_loop3A_466, %parallel_loop3A_436, %parallel_loop3A_439 : vector<16xi1>, vector<16xf32>
        %parallel_loop3A_472 = arith.select %parallel_loop3A_466, %parallel_loop3A_468, %parallel_loop3A_470 : vector<16xi1>, vector<16xi32>
        %parallel_loop3A_473 = arith.cmpf oge, %parallel_loop3A_442, %parallel_loop3A_445 : vector<16xf32>
        %parallel_loop3A_474 = arith.constant 6 : i32
        %parallel_loop3A_475 = vector.broadcast %parallel_loop3A_474 : i32 to vector<16xi32>
        %parallel_loop3A_476 = arith.constant 7 : i32
        %parallel_loop3A_477 = vector.broadcast %parallel_loop3A_476 : i32 to vector<16xi32>
        %parallel_loop3A_478 = arith.select %parallel_loop3A_473, %parallel_loop3A_442, %parallel_loop3A_445 : vector<16xi1>, vector<16xf32>
        %parallel_loop3A_479 = arith.select %parallel_loop3A_473, %parallel_loop3A_475, %parallel_loop3A_477 : vector<16xi1>, vector<16xi32>
        %parallel_loop3A_480 = arith.cmpf oge, %parallel_loop3A_448, %parallel_loop3A_451 : vector<16xf32>
        %parallel_loop3A_481 = arith.constant 8 : i32
        %parallel_loop3A_482 = vector.broadcast %parallel_loop3A_481 : i32 to vector<16xi32>
        %parallel_loop3A_483 = arith.constant 9 : i32
        %parallel_loop3A_484 = vector.broadcast %parallel_loop3A_483 : i32 to vector<16xi32>
        %parallel_loop3A_485 = arith.select %parallel_loop3A_480, %parallel_loop3A_448, %parallel_loop3A_451 : vector<16xi1>, vector<16xf32>
        %parallel_loop3A_486 = arith.select %parallel_loop3A_480, %parallel_loop3A_482, %parallel_loop3A_484 : vector<16xi1>, vector<16xi32>
        %parallel_loop3A_487 = arith.cmpf oge, %parallel_loop3A_457, %parallel_loop3A_464 : vector<16xf32>
        %parallel_loop3A_488 = arith.select %parallel_loop3A_487, %parallel_loop3A_457, %parallel_loop3A_464 : vector<16xi1>, vector<16xf32>
        %parallel_loop3A_489 = arith.select %parallel_loop3A_487, %parallel_loop3A_458, %parallel_loop3A_465 : vector<16xi1>, vector<16xi32>
        %parallel_loop3A_490 = arith.cmpf oge, %parallel_loop3A_471, %parallel_loop3A_478 : vector<16xf32>
        %parallel_loop3A_491 = arith.select %parallel_loop3A_490, %parallel_loop3A_471, %parallel_loop3A_478 : vector<16xi1>, vector<16xf32>
        %parallel_loop3A_492 = arith.select %parallel_loop3A_490, %parallel_loop3A_472, %parallel_loop3A_479 : vector<16xi1>, vector<16xi32>
        %parallel_loop3A_493 = arith.cmpf oge, %parallel_loop3A_488, %parallel_loop3A_491 : vector<16xf32>
        %parallel_loop3A_494 = arith.select %parallel_loop3A_493, %parallel_loop3A_488, %parallel_loop3A_491 : vector<16xi1>, vector<16xf32>
        %parallel_loop3A_495 = arith.select %parallel_loop3A_493, %parallel_loop3A_489, %parallel_loop3A_492 : vector<16xi1>, vector<16xi32>
        %parallel_loop3A_496 = arith.cmpf oge, %parallel_loop3A_494, %parallel_loop3A_485 : vector<16xf32>
        %parallel_loop3A_497 = arith.select %parallel_loop3A_496, %parallel_loop3A_494, %parallel_loop3A_485 : vector<16xi1>, vector<16xf32>
        %parallel_loop3A_498 = arith.select %parallel_loop3A_496, %parallel_loop3A_495, %parallel_loop3A_486 : vector<16xi1>, vector<16xi32>
        %parallel_loop3A_499 = arith.constant 10 : i32
        %parallel_loop3A_500 = vector.broadcast %parallel_loop3A_499 : i32 to vector<16xi32>
        %parallel_loop3A_501 = arith.muli %parallel_loop3A_421, %parallel_loop3A_500 : vector<16xi32>
        %parallel_loop3A_502 = arith.addi %parallel_loop3A_501, %parallel_loop3A_498 : vector<16xi32>
        %parallel_loop3A_503 = arith.constant 16 : i32
        %parallel_loop3A_504 = vector.broadcast %parallel_loop3A_503 : i32 to vector<16xi32>
        %parallel_loop3A_505 = arith.muli %parallel_loop3A_502, %parallel_loop3A_504 : vector<16xi32>
        %parallel_loop3A_506 = arith.addi %parallel_loop3A_505, %iota3A : vector<16xi32>
        tpu.vector_store_idx %arg9[%parallel_loop3A_506], %broadcast_in_dim3A_1 {add = true} : memref<1600xf32, #tpu.memory_space<vmem>>[vector<16xi32>], vector<16xf32>,
      } {sc.loop_unroll_factor = 2 : i64, sc.parallel_access}
      %add3A_326 = arith.constant 992 : i32
      %add3A_327 = vector.broadcast %add3A_326 : i32 to vector<16xi32>
      %add3A_328 = arith.addi %add3A_327, %iota3A : vector<16xi32>
      %gather3A_329 = tpu.vector_load_idx %arg8[%add3A_328] masked %lt3A_5 : memref<1016xi32, #tpu.memory_space<vmem>>[vector<16xi32>], vector<16xi32>, vector<16xi1>
      %broadcast_in_dim3A_330 = arith.constant 0 : i32
      %broadcast_in_dim3A_331 = vector.broadcast %broadcast_in_dim3A_330 : i32 to vector<16xi32>
      %gather3A_332 = tpu.vector_load_idx %arg6[%add3A_328, %broadcast_in_dim3A_331] masked %lt3A_5 : memref<1016x10xf32, #tpu.memory_space<vmem>>[vector<16xi32>, vector<16xi32>], vector<16xf32>, vector<16xi1>
      %broadcast_in_dim3A_333 = arith.constant 1 : i32
      %broadcast_in_dim3A_334 = vector.broadcast %broadcast_in_dim3A_333 : i32 to vector<16xi32>
      %gather3A_335 = tpu.vector_load_idx %arg6[%add3A_328, %broadcast_in_dim3A_334] masked %lt3A_5 : memref<1016x10xf32, #tpu.memory_space<vmem>>[vector<16xi32>, vector<16xi32>], vector<16xf32>, vector<16xi1>
      %broadcast_in_dim3A_336 = arith.constant 2 : i32
      %broadcast_in_dim3A_337 = vector.broadcast %broadcast_in_dim3A_336 : i32 to vector<16xi32>
      %gather3A_338 = tpu.vector_load_idx %arg6[%add3A_328, %broadcast_in_dim3A_337] masked %lt3A_5 : memref<1016x10xf32, #tpu.memory_space<vmem>>[vector<16xi32>, vector<16xi32>], vector<16xf32>, vector<16xi1>
      %broadcast_in_dim3A_339 = arith.constant 3 : i32
      %broadcast_in_dim3A_340 = vector.broadcast %broadcast_in_dim3A_339 : i32 to vector<16xi32>
      %gather3A_341 = tpu.vector_load_idx %arg6[%add3A_328, %broadcast_in_dim3A_340] masked %lt3A_5 : memref<1016x10xf32, #tpu.memory_space<vmem>>[vector<16xi32>, vector<16xi32>], vector<16xf32>, vector<16xi1>
      %broadcast_in_dim3A_342 = arith.constant 4 : i32
      %broadcast_in_dim3A_343 = vector.broadcast %broadcast_in_dim3A_342 : i32 to vector<16xi32>
      %gather3A_344 = tpu.vector_load_idx %arg6[%add3A_328, %broadcast_in_dim3A_343] masked %lt3A_5 : memref<1016x10xf32, #tpu.memory_space<vmem>>[vector<16xi32>, vector<16xi32>], vector<16xf32>, vector<16xi1>
      %broadcast_in_dim3A_345 = arith.constant 5 : i32
      %broadcast_in_dim3A_346 = vector.broadcast %broadcast_in_dim3A_345 : i32 to vector<16xi32>
      %gather3A_347 = tpu.vector_load_idx %arg6[%add3A_328, %broadcast_in_dim3A_346] masked %lt3A_5 : memref<1016x10xf32, #tpu.memory_space<vmem>>[vector<16xi32>, vector<16xi32>], vector<16xf32>, vector<16xi1>
      %broadcast_in_dim3A_348 = arith.constant 6 : i32
      %broadcast_in_dim3A_349 = vector.broadcast %broadcast_in_dim3A_348 : i32 to vector<16xi32>
      %gather3A_350 = tpu.vector_load_idx %arg6[%add3A_328, %broadcast_in_dim3A_349] masked %lt3A_5 : memref<1016x10xf32, #tpu.memory_space<vmem>>[vector<16xi32>, vector<16xi32>], vector<16xf32>, vector<16xi1>
      %broadcast_in_dim3A_351 = arith.constant 7 : i32
      %broadcast_in_dim3A_352 = vector.broadcast %broadcast_in_dim3A_351 : i32 to vector<16xi32>
      %gather3A_353 = tpu.vector_load_idx %arg6[%add3A_328, %broadcast_in_dim3A_352] masked %lt3A_5 : memref<1016x10xf32, #tpu.memory_space<vmem>>[vector<16xi32>, vector<16xi32>], vector<16xf32>, vector<16xi1>
      %broadcast_in_dim3A_354 = arith.constant 8 : i32
      %broadcast_in_dim3A_355 = vector.broadcast %broadcast_in_dim3A_354 : i32 to vector<16xi32>
      %gather3A_356 = tpu.vector_load_idx %arg6[%add3A_328, %broadcast_in_dim3A_355] masked %lt3A_5 : memref<1016x10xf32, #tpu.memory_space<vmem>>[vector<16xi32>, vector<16xi32>], vector<16xf32>, vector<16xi1>
      %broadcast_in_dim3A_357 = arith.constant 9 : i32
      %broadcast_in_dim3A_358 = vector.broadcast %broadcast_in_dim3A_357 : i32 to vector<16xi32>
      %gather3A_359 = tpu.vector_load_idx %arg6[%add3A_328, %broadcast_in_dim3A_358] masked %lt3A_5 : memref<1016x10xf32, #tpu.memory_space<vmem>>[vector<16xi32>, vector<16xi32>], vector<16xf32>, vector<16xi1>
      %ge3A_360 = arith.cmpf oge, %gather3A_332, %gather3A_335 : vector<16xf32>
      %broadcast_in_dim3A_361 = arith.constant 0 : i32
      %broadcast_in_dim3A_362 = vector.broadcast %broadcast_in_dim3A_361 : i32 to vector<16xi32>
      %broadcast_in_dim3A_363 = arith.constant 1 : i32
      %broadcast_in_dim3A_364 = vector.broadcast %broadcast_in_dim3A_363 : i32 to vector<16xi32>
      %select_n3A_365 = arith.select %ge3A_360, %gather3A_332, %gather3A_335 : vector<16xi1>, vector<16xf32>
      %select_n3A_366 = arith.select %ge3A_360, %broadcast_in_dim3A_362, %broadcast_in_dim3A_364 : vector<16xi1>, vector<16xi32>
      %ge3A_367 = arith.cmpf oge, %gather3A_338, %gather3A_341 : vector<16xf32>
      %broadcast_in_dim3A_368 = arith.constant 2 : i32
      %broadcast_in_dim3A_369 = vector.broadcast %broadcast_in_dim3A_368 : i32 to vector<16xi32>
      %broadcast_in_dim3A_370 = arith.constant 3 : i32
      %broadcast_in_dim3A_371 = vector.broadcast %broadcast_in_dim3A_370 : i32 to vector<16xi32>
      %select_n3A_372 = arith.select %ge3A_367, %gather3A_338, %gather3A_341 : vector<16xi1>, vector<16xf32>
      %select_n3A_373 = arith.select %ge3A_367, %broadcast_in_dim3A_369, %broadcast_in_dim3A_371 : vector<16xi1>, vector<16xi32>
      %ge3A_374 = arith.cmpf oge, %gather3A_344, %gather3A_347 : vector<16xf32>
      %broadcast_in_dim3A_375 = arith.constant 4 : i32
      %broadcast_in_dim3A_376 = vector.broadcast %broadcast_in_dim3A_375 : i32 to vector<16xi32>
      %broadcast_in_dim3A_377 = arith.constant 5 : i32
      %broadcast_in_dim3A_378 = vector.broadcast %broadcast_in_dim3A_377 : i32 to vector<16xi32>
      %select_n3A_379 = arith.select %ge3A_374, %gather3A_344, %gather3A_347 : vector<16xi1>, vector<16xf32>
      %select_n3A_380 = arith.select %ge3A_374, %broadcast_in_dim3A_376, %broadcast_in_dim3A_378 : vector<16xi1>, vector<16xi32>
      %ge3A_381 = arith.cmpf oge, %gather3A_350, %gather3A_353 : vector<16xf32>
      %broadcast_in_dim3A_382 = arith.constant 6 : i32
      %broadcast_in_dim3A_383 = vector.broadcast %broadcast_in_dim3A_382 : i32 to vector<16xi32>
      %broadcast_in_dim3A_384 = arith.constant 7 : i32
      %broadcast_in_dim3A_385 = vector.broadcast %broadcast_in_dim3A_384 : i32 to vector<16xi32>
      %select_n3A_386 = arith.select %ge3A_381, %gather3A_350, %gather3A_353 : vector<16xi1>, vector<16xf32>
      %select_n3A_387 = arith.select %ge3A_381, %broadcast_in_dim3A_383, %broadcast_in_dim3A_385 : vector<16xi1>, vector<16xi32>
      %ge3A_388 = arith.cmpf oge, %gather3A_356, %gather3A_359 : vector<16xf32>
      %broadcast_in_dim3A_389 = arith.constant 8 : i32
      %broadcast_in_dim3A_390 = vector.broadcast %broadcast_in_dim3A_389 : i32 to vector<16xi32>
      %broadcast_in_dim3A_391 = arith.constant 9 : i32
      %broadcast_in_dim3A_392 = vector.broadcast %broadcast_in_dim3A_391 : i32 to vector<16xi32>
      %select_n3A_393 = arith.select %ge3A_388, %gather3A_356, %gather3A_359 : vector<16xi1>, vector<16xf32>
      %select_n3A_394 = arith.select %ge3A_388, %broadcast_in_dim3A_390, %broadcast_in_dim3A_392 : vector<16xi1>, vector<16xi32>
      %ge3A_395 = arith.cmpf oge, %select_n3A_365, %select_n3A_372 : vector<16xf32>
      %select_n3A_396 = arith.select %ge3A_395, %select_n3A_365, %select_n3A_372 : vector<16xi1>, vector<16xf32>
      %select_n3A_397 = arith.select %ge3A_395, %select_n3A_366, %select_n3A_373 : vector<16xi1>, vector<16xi32>
      %ge3A_398 = arith.cmpf oge, %select_n3A_379, %select_n3A_386 : vector<16xf32>
      %select_n3A_399 = arith.select %ge3A_398, %select_n3A_379, %select_n3A_386 : vector<16xi1>, vector<16xf32>
      %select_n3A_400 = arith.select %ge3A_398, %select_n3A_380, %select_n3A_387 : vector<16xi1>, vector<16xi32>
      %ge3A_401 = arith.cmpf oge, %select_n3A_396, %select_n3A_399 : vector<16xf32>
      %select_n3A_402 = arith.select %ge3A_401, %select_n3A_396, %select_n3A_399 : vector<16xi1>, vector<16xf32>
      %select_n3A_403 = arith.select %ge3A_401, %select_n3A_397, %select_n3A_400 : vector<16xi1>, vector<16xi32>
      %ge3A_404 = arith.cmpf oge, %select_n3A_402, %select_n3A_393 : vector<16xf32>
      %select_n3A_405 = arith.select %ge3A_404, %select_n3A_402, %select_n3A_393 : vector<16xi1>, vector<16xf32>
      %select_n3A_406 = arith.select %ge3A_404, %select_n3A_403, %select_n3A_394 : vector<16xi1>, vector<16xi32>
      %mul3A_407 = arith.constant 10 : i32
      %mul3A_408 = vector.broadcast %mul3A_407 : i32 to vector<16xi32>
      %mul3A_409 = arith.muli %gather3A_329, %mul3A_408 : vector<16xi32>
      %add3A_410 = arith.addi %mul3A_409, %select_n3A_406 : vector<16xi32>
      %mul3A_411 = arith.constant 16 : i32
      %mul3A_412 = vector.broadcast %mul3A_411 : i32 to vector<16xi32>
      %mul3A_413 = arith.muli %add3A_410, %mul3A_412 : vector<16xi32>
      %add3A_414 = arith.addi %mul3A_413, %iota3A : vector<16xi32>
      tpu.vector_store_idx %arg9[%add3A_414], %broadcast_in_dim3A_1 masked %lt3A_5 {add = true} : memref<1600xf32, #tpu.memory_space<vmem>>[vector<16xi32>], vector<16xf32>, vector<16xi1>
      %scan3A_415 = arith.constant 0 : i32
      scf.yield %scan3A_415 : i32
    }
    %scan3A_32 = arith.constant 62 : i32
    %dma_wait3A = arith.constant 0 : i32
    %dma_wait3A_33 = arith.constant 0 : i32
    %dma_wait3A_34 = tpu.memref_slice %arg5[%dma_wait3A, %dma_wait3A_33] : memref<1016x10xf32, #tpu.memory_space<vmem>> -> memref<1000x10xf32, #tpu.memory_space<vmem>>
    %dma_wait3A_35 = arith.constant 0 : i32
    %dma_wait3A_36 = arith.constant 0 : i32
    %dma_wait3A_37 = tpu.memref_slice %arg2[%dma_wait3A_35, %dma_wait3A_36] : memref<4000000x10xf32, #tpu.memory_space<hbm>> -> memref<1000x10xf32, #tpu.memory_space<hbm>>
    %dma_wait3A_38 = arith.constant 0 : i32
    %dma_wait3A_39 = arith.constant 0 : i32
    %dma_wait3A_40 = tpu.memref_slice %arg5[%dma_wait3A_38, %dma_wait3A_39] : memref<1016x10xf32, #tpu.memory_space<vmem>> -> memref<1000x10xf32, #tpu.memory_space<vmem>>
    %dma_wait3A_41 = arith.constant 0 : i32
    %dma_wait3A_42 = arith.constant 0 : i32
    %dma_wait3A_43 = tpu.memref_slice %arg2[%dma_wait3A_41, %dma_wait3A_42] : memref<4000000x10xf32, #tpu.memory_space<hbm>> -> memref<1000x10xf32, #tpu.memory_space<hbm>>
    tpu.wait_dma2 semaphore(%arg10 : memref<!tpu.dma_semaphore, #tpu.memory_space<semaphore_mem>>) src(%dma_wait3A_43 : memref<1000x10xf32, #tpu.memory_space<hbm>>) dst(%dma_wait3A_40 : memref<1000x10xf32, #tpu.memory_space<vmem>>)
    %dma_wait3A_44 = arith.constant 0 : i32
    %dma_wait3A_45 = tpu.memref_slice %arg7[%dma_wait3A_44] : memref<1016xi32, #tpu.memory_space<vmem>> -> memref<1000xi32, #tpu.memory_space<vmem>>
    %dma_wait3A_46 = arith.constant 0 : i32
    %dma_wait3A_47 = tpu.memref_slice %arg3[%dma_wait3A_46] : memref<4000000xi32, #tpu.memory_space<hbm>> -> memref<1000xi32, #tpu.memory_space<hbm>>
    %dma_wait3A_48 = arith.constant 0 : i32
    %dma_wait3A_49 = tpu.memref_slice %arg7[%dma_wait3A_48] : memref<1016xi32, #tpu.memory_space<vmem>> -> memref<1000xi32, #tpu.memory_space<vmem>>
    %dma_wait3A_50 = arith.constant 0 : i32
    %dma_wait3A_51 = tpu.memref_slice %arg3[%dma_wait3A_50] : memref<4000000xi32, #tpu.memory_space<hbm>> -> memref<1000xi32, #tpu.memory_space<hbm>>
    tpu.wait_dma2 semaphore(%arg10 : memref<!tpu.dma_semaphore, #tpu.memory_space<semaphore_mem>>) src(%dma_wait3A_51 : memref<1000xi32, #tpu.memory_space<hbm>>) dst(%dma_wait3A_49 : memref<1000xi32, #tpu.memory_space<vmem>>)
    %parallel_loop3A_52 = arith.constant 0 : i32
    %parallel_loop3A_53 = arith.constant 62 : i32
    %parallel_loop3A_54 = arith.constant 1 : i32
    scf.for %parallel_loop3A_141 = %parallel_loop3A_52 to %parallel_loop3A_53 step %parallel_loop3A_54  : i32 {
      %parallel_loop3A_142 = arith.constant 16 : i32
      %parallel_loop3A_143 = arith.muli %parallel_loop3A_141, %parallel_loop3A_142 : i32
      %parallel_loop3A_144 = vector.broadcast %parallel_loop3A_143 : i32 to vector<16xi32>
      %parallel_loop3A_145 = arith.addi %parallel_loop3A_144, %iota3A : vector<16xi32>
      %parallel_loop3A_146 = tpu.vector_load_idx %arg7[%parallel_loop3A_145] : memref<1016xi32, #tpu.memory_space<vmem>>[vector<16xi32>], vector<16xi32>,
      %parallel_loop3A_147 = arith.constant 0 : i32
      %parallel_loop3A_148 = vector.broadcast %parallel_loop3A_147 : i32 to vector<16xi32>
      %parallel_loop3A_149 = tpu.vector_load_idx %arg5[%parallel_loop3A_145, %parallel_loop3A_148] : memref<1016x10xf32, #tpu.memory_space<vmem>>[vector<16xi32>, vector<16xi32>], vector<16xf32>,
      %parallel_loop3A_150 = arith.constant 1 : i32
      %parallel_loop3A_151 = vector.broadcast %parallel_loop3A_150 : i32 to vector<16xi32>
      %parallel_loop3A_152 = tpu.vector_load_idx %arg5[%parallel_loop3A_145, %parallel_loop3A_151] : memref<1016x10xf32, #tpu.memory_space<vmem>>[vector<16xi32>, vector<16xi32>], vector<16xf32>,
      %parallel_loop3A_153 = arith.constant 2 : i32
      %parallel_loop3A_154 = vector.broadcast %parallel_loop3A_153 : i32 to vector<16xi32>
      %parallel_loop3A_155 = tpu.vector_load_idx %arg5[%parallel_loop3A_145, %parallel_loop3A_154] : memref<1016x10xf32, #tpu.memory_space<vmem>>[vector<16xi32>, vector<16xi32>], vector<16xf32>,
      %parallel_loop3A_156 = arith.constant 3 : i32
      %parallel_loop3A_157 = vector.broadcast %parallel_loop3A_156 : i32 to vector<16xi32>
      %parallel_loop3A_158 = tpu.vector_load_idx %arg5[%parallel_loop3A_145, %parallel_loop3A_157] : memref<1016x10xf32, #tpu.memory_space<vmem>>[vector<16xi32>, vector<16xi32>], vector<16xf32>,
      %parallel_loop3A_159 = arith.constant 4 : i32
      %parallel_loop3A_160 = vector.broadcast %parallel_loop3A_159 : i32 to vector<16xi32>
      %parallel_loop3A_161 = tpu.vector_load_idx %arg5[%parallel_loop3A_145, %parallel_loop3A_160] : memref<1016x10xf32, #tpu.memory_space<vmem>>[vector<16xi32>, vector<16xi32>], vector<16xf32>,
      %parallel_loop3A_162 = arith.constant 5 : i32
      %parallel_loop3A_163 = vector.broadcast %parallel_loop3A_162 : i32 to vector<16xi32>
      %parallel_loop3A_164 = tpu.vector_load_idx %arg5[%parallel_loop3A_145, %parallel_loop3A_163] : memref<1016x10xf32, #tpu.memory_space<vmem>>[vector<16xi32>, vector<16xi32>], vector<16xf32>,
      %parallel_loop3A_165 = arith.constant 6 : i32
      %parallel_loop3A_166 = vector.broadcast %parallel_loop3A_165 : i32 to vector<16xi32>
      %parallel_loop3A_167 = tpu.vector_load_idx %arg5[%parallel_loop3A_145, %parallel_loop3A_166] : memref<1016x10xf32, #tpu.memory_space<vmem>>[vector<16xi32>, vector<16xi32>], vector<16xf32>,
      %parallel_loop3A_168 = arith.constant 7 : i32
      %parallel_loop3A_169 = vector.broadcast %parallel_loop3A_168 : i32 to vector<16xi32>
      %parallel_loop3A_170 = tpu.vector_load_idx %arg5[%parallel_loop3A_145, %parallel_loop3A_169] : memref<1016x10xf32, #tpu.memory_space<vmem>>[vector<16xi32>, vector<16xi32>], vector<16xf32>,
      %parallel_loop3A_171 = arith.constant 8 : i32
      %parallel_loop3A_172 = vector.broadcast %parallel_loop3A_171 : i32 to vector<16xi32>
      %parallel_loop3A_173 = tpu.vector_load_idx %arg5[%parallel_loop3A_145, %parallel_loop3A_172] : memref<1016x10xf32, #tpu.memory_space<vmem>>[vector<16xi32>, vector<16xi32>], vector<16xf32>,
      %parallel_loop3A_174 = arith.constant 9 : i32
      %parallel_loop3A_175 = vector.broadcast %parallel_loop3A_174 : i32 to vector<16xi32>
      %parallel_loop3A_176 = tpu.vector_load_idx %arg5[%parallel_loop3A_145, %parallel_loop3A_175] : memref<1016x10xf32, #tpu.memory_space<vmem>>[vector<16xi32>, vector<16xi32>], vector<16xf32>,
      %parallel_loop3A_177 = arith.cmpf oge, %parallel_loop3A_149, %parallel_loop3A_152 : vector<16xf32>
      %parallel_loop3A_178 = arith.constant 0 : i32
      %parallel_loop3A_179 = vector.broadcast %parallel_loop3A_178 : i32 to vector<16xi32>
      %parallel_loop3A_180 = arith.constant 1 : i32
      %parallel_loop3A_181 = vector.broadcast %parallel_loop3A_180 : i32 to vector<16xi32>
      %parallel_loop3A_182 = arith.select %parallel_loop3A_177, %parallel_loop3A_149, %parallel_loop3A_152 : vector<16xi1>, vector<16xf32>
      %parallel_loop3A_183 = arith.select %parallel_loop3A_177, %parallel_loop3A_179, %parallel_loop3A_181 : vector<16xi1>, vector<16xi32>
      %parallel_loop3A_184 = arith.cmpf oge, %parallel_loop3A_155, %parallel_loop3A_158 : vector<16xf32>
      %parallel_loop3A_185 = arith.constant 2 : i32
      %parallel_loop3A_186 = vector.broadcast %parallel_loop3A_185 : i32 to vector<16xi32>
      %parallel_loop3A_187 = arith.constant 3 : i32
      %parallel_loop3A_188 = vector.broadcast %parallel_loop3A_187 : i32 to vector<16xi32>
      %parallel_loop3A_189 = arith.select %parallel_loop3A_184, %parallel_loop3A_155, %parallel_loop3A_158 : vector<16xi1>, vector<16xf32>
      %parallel_loop3A_190 = arith.select %parallel_loop3A_184, %parallel_loop3A_186, %parallel_loop3A_188 : vector<16xi1>, vector<16xi32>
      %parallel_loop3A_191 = arith.cmpf oge, %parallel_loop3A_161, %parallel_loop3A_164 : vector<16xf32>
      %parallel_loop3A_192 = arith.constant 4 : i32
      %parallel_loop3A_193 = vector.broadcast %parallel_loop3A_192 : i32 to vector<16xi32>
      %parallel_loop3A_194 = arith.constant 5 : i32
      %parallel_loop3A_195 = vector.broadcast %parallel_loop3A_194 : i32 to vector<16xi32>
      %parallel_loop3A_196 = arith.select %parallel_loop3A_191, %parallel_loop3A_161, %parallel_loop3A_164 : vector<16xi1>, vector<16xf32>
      %parallel_loop3A_197 = arith.select %parallel_loop3A_191, %parallel_loop3A_193, %parallel_loop3A_195 : vector<16xi1>, vector<16xi32>
      %parallel_loop3A_198 = arith.cmpf oge, %parallel_loop3A_167, %parallel_loop3A_170 : vector<16xf32>
      %parallel_loop3A_199 = arith.constant 6 : i32
      %parallel_loop3A_200 = vector.broadcast %parallel_loop3A_199 : i32 to vector<16xi32>
      %parallel_loop3A_201 = arith.constant 7 : i32
      %parallel_loop3A_202 = vector.broadcast %parallel_loop3A_201 : i32 to vector<16xi32>
      %parallel_loop3A_203 = arith.select %parallel_loop3A_198, %parallel_loop3A_167, %parallel_loop3A_170 : vector<16xi1>, vector<16xf32>
      %parallel_loop3A_204 = arith.select %parallel_loop3A_198, %parallel_loop3A_200, %parallel_loop3A_202 : vector<16xi1>, vector<16xi32>
      %parallel_loop3A_205 = arith.cmpf oge, %parallel_loop3A_173, %parallel_loop3A_176 : vector<16xf32>
      %parallel_loop3A_206 = arith.constant 8 : i32
      %parallel_loop3A_207 = vector.broadcast %parallel_loop3A_206 : i32 to vector<16xi32>
      %parallel_loop3A_208 = arith.constant 9 : i32
      %parallel_loop3A_209 = vector.broadcast %parallel_loop3A_208 : i32 to vector<16xi32>
      %parallel_loop3A_210 = arith.select %parallel_loop3A_205, %parallel_loop3A_173, %parallel_loop3A_176 : vector<16xi1>, vector<16xf32>
      %parallel_loop3A_211 = arith.select %parallel_loop3A_205, %parallel_loop3A_207, %parallel_loop3A_209 : vector<16xi1>, vector<16xi32>
      %parallel_loop3A_212 = arith.cmpf oge, %parallel_loop3A_182, %parallel_loop3A_189 : vector<16xf32>
      %parallel_loop3A_213 = arith.select %parallel_loop3A_212, %parallel_loop3A_182, %parallel_loop3A_189 : vector<16xi1>, vector<16xf32>
      %parallel_loop3A_214 = arith.select %parallel_loop3A_212, %parallel_loop3A_183, %parallel_loop3A_190 : vector<16xi1>, vector<16xi32>
      %parallel_loop3A_215 = arith.cmpf oge, %parallel_loop3A_196, %parallel_loop3A_203 : vector<16xf32>
      %parallel_loop3A_216 = arith.select %parallel_loop3A_215, %parallel_loop3A_196, %parallel_loop3A_203 : vector<16xi1>, vector<16xf32>
      %parallel_loop3A_217 = arith.select %parallel_loop3A_215, %parallel_loop3A_197, %parallel_loop3A_204 : vector<16xi1>, vector<16xi32>
      %parallel_loop3A_218 = arith.cmpf oge, %parallel_loop3A_213, %parallel_loop3A_216 : vector<16xf32>
      %parallel_loop3A_219 = arith.select %parallel_loop3A_218, %parallel_loop3A_213, %parallel_loop3A_216 : vector<16xi1>, vector<16xf32>
      %parallel_loop3A_220 = arith.select %parallel_loop3A_218, %parallel_loop3A_214, %parallel_loop3A_217 : vector<16xi1>, vector<16xi32>
      %parallel_loop3A_221 = arith.cmpf oge, %parallel_loop3A_219, %parallel_loop3A_210 : vector<16xf32>
      %parallel_loop3A_222 = arith.select %parallel_loop3A_221, %parallel_loop3A_219, %parallel_loop3A_210 : vector<16xi1>, vector<16xf32>
      %parallel_loop3A_223 = arith.select %parallel_loop3A_221, %parallel_loop3A_220, %parallel_loop3A_211 : vector<16xi1>, vector<16xi32>
      %parallel_loop3A_224 = arith.constant 10 : i32
      %parallel_loop3A_225 = vector.broadcast %parallel_loop3A_224 : i32 to vector<16xi32>
      %parallel_loop3A_226 = arith.muli %parallel_loop3A_146, %parallel_loop3A_225 : vector<16xi32>
      %parallel_loop3A_227 = arith.addi %parallel_loop3A_226, %parallel_loop3A_223 : vector<16xi32>
      %parallel_loop3A_228 = arith.constant 16 : i32
      %parallel_loop3A_229 = vector.broadcast %parallel_loop3A_228 : i32 to vector<16xi32>
      %parallel_loop3A_230 = arith.muli %parallel_loop3A_227, %parallel_loop3A_229 : vector<16xi32>
      %parallel_loop3A_231 = arith.addi %parallel_loop3A_230, %iota3A : vector<16xi32>
      tpu.vector_store_idx %arg9[%parallel_loop3A_231], %broadcast_in_dim3A_1 {add = true} : memref<1600xf32, #tpu.memory_space<vmem>>[vector<16xi32>], vector<16xf32>,
    } {sc.loop_unroll_factor = 2 : i64, sc.parallel_access}
    %add3A_55 = arith.constant 992 : i32
    %add3A_56 = vector.broadcast %add3A_55 : i32 to vector<16xi32>
    %add3A_57 = arith.addi %add3A_56, %iota3A : vector<16xi32>
    %gather3A = tpu.vector_load_idx %arg7[%add3A_57] masked %lt3A_5 : memref<1016xi32, #tpu.memory_space<vmem>>[vector<16xi32>], vector<16xi32>, vector<16xi1>
    %broadcast_in_dim3A_58 = arith.constant 0 : i32
    %broadcast_in_dim3A_59 = vector.broadcast %broadcast_in_dim3A_58 : i32 to vector<16xi32>
    %gather3A_60 = tpu.vector_load_idx %arg5[%add3A_57, %broadcast_in_dim3A_59] masked %lt3A_5 : memref<1016x10xf32, #tpu.memory_space<vmem>>[vector<16xi32>, vector<16xi32>], vector<16xf32>, vector<16xi1>
    %broadcast_in_dim3A_61 = arith.constant 1 : i32
    %broadcast_in_dim3A_62 = vector.broadcast %broadcast_in_dim3A_61 : i32 to vector<16xi32>
    %gather3A_63 = tpu.vector_load_idx %arg5[%add3A_57, %broadcast_in_dim3A_62] masked %lt3A_5 : memref<1016x10xf32, #tpu.memory_space<vmem>>[vector<16xi32>, vector<16xi32>], vector<16xf32>, vector<16xi1>
    %broadcast_in_dim3A_64 = arith.constant 2 : i32
    %broadcast_in_dim3A_65 = vector.broadcast %broadcast_in_dim3A_64 : i32 to vector<16xi32>
    %gather3A_66 = tpu.vector_load_idx %arg5[%add3A_57, %broadcast_in_dim3A_65] masked %lt3A_5 : memref<1016x10xf32, #tpu.memory_space<vmem>>[vector<16xi32>, vector<16xi32>], vector<16xf32>, vector<16xi1>
    %broadcast_in_dim3A_67 = arith.constant 3 : i32
    %broadcast_in_dim3A_68 = vector.broadcast %broadcast_in_dim3A_67 : i32 to vector<16xi32>
    %gather3A_69 = tpu.vector_load_idx %arg5[%add3A_57, %broadcast_in_dim3A_68] masked %lt3A_5 : memref<1016x10xf32, #tpu.memory_space<vmem>>[vector<16xi32>, vector<16xi32>], vector<16xf32>, vector<16xi1>
    %broadcast_in_dim3A_70 = arith.constant 4 : i32
    %broadcast_in_dim3A_71 = vector.broadcast %broadcast_in_dim3A_70 : i32 to vector<16xi32>
    %gather3A_72 = tpu.vector_load_idx %arg5[%add3A_57, %broadcast_in_dim3A_71] masked %lt3A_5 : memref<1016x10xf32, #tpu.memory_space<vmem>>[vector<16xi32>, vector<16xi32>], vector<16xf32>, vector<16xi1>
    %broadcast_in_dim3A_73 = arith.constant 5 : i32
    %broadcast_in_dim3A_74 = vector.broadcast %broadcast_in_dim3A_73 : i32 to vector<16xi32>
    %gather3A_75 = tpu.vector_load_idx %arg5[%add3A_57, %broadcast_in_dim3A_74] masked %lt3A_5 : memref<1016x10xf32, #tpu.memory_space<vmem>>[vector<16xi32>, vector<16xi32>], vector<16xf32>, vector<16xi1>
    %broadcast_in_dim3A_76 = arith.constant 6 : i32
    %broadcast_in_dim3A_77 = vector.broadcast %broadcast_in_dim3A_76 : i32 to vector<16xi32>
    %gather3A_78 = tpu.vector_load_idx %arg5[%add3A_57, %broadcast_in_dim3A_77] masked %lt3A_5 : memref<1016x10xf32, #tpu.memory_space<vmem>>[vector<16xi32>, vector<16xi32>], vector<16xf32>, vector<16xi1>
    %broadcast_in_dim3A_79 = arith.constant 7 : i32
    %broadcast_in_dim3A_80 = vector.broadcast %broadcast_in_dim3A_79 : i32 to vector<16xi32>
    %gather3A_81 = tpu.vector_load_idx %arg5[%add3A_57, %broadcast_in_dim3A_80] masked %lt3A_5 : memref<1016x10xf32, #tpu.memory_space<vmem>>[vector<16xi32>, vector<16xi32>], vector<16xf32>, vector<16xi1>
    %broadcast_in_dim3A_82 = arith.constant 8 : i32
    %broadcast_in_dim3A_83 = vector.broadcast %broadcast_in_dim3A_82 : i32 to vector<16xi32>
    %gather3A_84 = tpu.vector_load_idx %arg5[%add3A_57, %broadcast_in_dim3A_83] masked %lt3A_5 : memref<1016x10xf32, #tpu.memory_space<vmem>>[vector<16xi32>, vector<16xi32>], vector<16xf32>, vector<16xi1>
    %broadcast_in_dim3A_85 = arith.constant 9 : i32
    %broadcast_in_dim3A_86 = vector.broadcast %broadcast_in_dim3A_85 : i32 to vector<16xi32>
    %gather3A_87 = tpu.vector_load_idx %arg5[%add3A_57, %broadcast_in_dim3A_86] masked %lt3A_5 : memref<1016x10xf32, #tpu.memory_space<vmem>>[vector<16xi32>, vector<16xi32>], vector<16xf32>, vector<16xi1>
    %ge3A = arith.cmpf oge, %gather3A_60, %gather3A_63 : vector<16xf32>
    %broadcast_in_dim3A_88 = arith.constant 0 : i32
    %broadcast_in_dim3A_89 = vector.broadcast %broadcast_in_dim3A_88 : i32 to vector<16xi32>
    %broadcast_in_dim3A_90 = arith.constant 1 : i32
    %broadcast_in_dim3A_91 = vector.broadcast %broadcast_in_dim3A_90 : i32 to vector<16xi32>
    %select_n3A = arith.select %ge3A, %gather3A_60, %gather3A_63 : vector<16xi1>, vector<16xf32>
    %select_n3A_92 = arith.select %ge3A, %broadcast_in_dim3A_89, %broadcast_in_dim3A_91 : vector<16xi1>, vector<16xi32>
    %ge3A_93 = arith.cmpf oge, %gather3A_66, %gather3A_69 : vector<16xf32>
    %broadcast_in_dim3A_94 = arith.constant 2 : i32
    %broadcast_in_dim3A_95 = vector.broadcast %broadcast_in_dim3A_94 : i32 to vector<16xi32>
    %broadcast_in_dim3A_96 = arith.constant 3 : i32
    %broadcast_in_dim3A_97 = vector.broadcast %broadcast_in_dim3A_96 : i32 to vector<16xi32>
    %select_n3A_98 = arith.select %ge3A_93, %gather3A_66, %gather3A_69 : vector<16xi1>, vector<16xf32>
    %select_n3A_99 = arith.select %ge3A_93, %broadcast_in_dim3A_95, %broadcast_in_dim3A_97 : vector<16xi1>, vector<16xi32>
    %ge3A_100 = arith.cmpf oge, %gather3A_72, %gather3A_75 : vector<16xf32>
    %broadcast_in_dim3A_101 = arith.constant 4 : i32
    %broadcast_in_dim3A_102 = vector.broadcast %broadcast_in_dim3A_101 : i32 to vector<16xi32>
    %broadcast_in_dim3A_103 = arith.constant 5 : i32
    %broadcast_in_dim3A_104 = vector.broadcast %broadcast_in_dim3A_103 : i32 to vector<16xi32>
    %select_n3A_105 = arith.select %ge3A_100, %gather3A_72, %gather3A_75 : vector<16xi1>, vector<16xf32>
    %select_n3A_106 = arith.select %ge3A_100, %broadcast_in_dim3A_102, %broadcast_in_dim3A_104 : vector<16xi1>, vector<16xi32>
    %ge3A_107 = arith.cmpf oge, %gather3A_78, %gather3A_81 : vector<16xf32>
    %broadcast_in_dim3A_108 = arith.constant 6 : i32
    %broadcast_in_dim3A_109 = vector.broadcast %broadcast_in_dim3A_108 : i32 to vector<16xi32>
    %broadcast_in_dim3A_110 = arith.constant 7 : i32
    %broadcast_in_dim3A_111 = vector.broadcast %broadcast_in_dim3A_110 : i32 to vector<16xi32>
    %select_n3A_112 = arith.select %ge3A_107, %gather3A_78, %gather3A_81 : vector<16xi1>, vector<16xf32>
    %select_n3A_113 = arith.select %ge3A_107, %broadcast_in_dim3A_109, %broadcast_in_dim3A_111 : vector<16xi1>, vector<16xi32>
    %ge3A_114 = arith.cmpf oge, %gather3A_84, %gather3A_87 : vector<16xf32>
    %broadcast_in_dim3A_115 = arith.constant 8 : i32
    %broadcast_in_dim3A_116 = vector.broadcast %broadcast_in_dim3A_115 : i32 to vector<16xi32>
    %broadcast_in_dim3A_117 = arith.constant 9 : i32
    %broadcast_in_dim3A_118 = vector.broadcast %broadcast_in_dim3A_117 : i32 to vector<16xi32>
    %select_n3A_119 = arith.select %ge3A_114, %gather3A_84, %gather3A_87 : vector<16xi1>, vector<16xf32>
    %select_n3A_120 = arith.select %ge3A_114, %broadcast_in_dim3A_116, %broadcast_in_dim3A_118 : vector<16xi1>, vector<16xi32>
    %ge3A_121 = arith.cmpf oge, %select_n3A, %select_n3A_98 : vector<16xf32>
    %select_n3A_122 = arith.select %ge3A_121, %select_n3A, %select_n3A_98 : vector<16xi1>, vector<16xf32>
    %select_n3A_123 = arith.select %ge3A_121, %select_n3A_92, %select_n3A_99 : vector<16xi1>, vector<16xi32>
    %ge3A_124 = arith.cmpf oge, %select_n3A_105, %select_n3A_112 : vector<16xf32>
    %select_n3A_125 = arith.select %ge3A_124, %select_n3A_105, %select_n3A_112 : vector<16xi1>, vector<16xf32>
    %select_n3A_126 = arith.select %ge3A_124, %select_n3A_106, %select_n3A_113 : vector<16xi1>, vector<16xi32>
    %ge3A_127 = arith.cmpf oge, %select_n3A_122, %select_n3A_125 : vector<16xf32>
    %select_n3A_128 = arith.select %ge3A_127, %select_n3A_122, %select_n3A_125 : vector<16xi1>, vector<16xf32>
    %select_n3A_129 = arith.select %ge3A_127, %select_n3A_123, %select_n3A_126 : vector<16xi1>, vector<16xi32>
    %ge3A_130 = arith.cmpf oge, %select_n3A_128, %select_n3A_119 : vector<16xf32>
    %select_n3A_131 = arith.select %ge3A_130, %select_n3A_128, %select_n3A_119 : vector<16xi1>, vector<16xf32>
    %select_n3A_132 = arith.select %ge3A_130, %select_n3A_129, %select_n3A_120 : vector<16xi1>, vector<16xi32>
    %mul3A_133 = arith.constant 10 : i32
    %mul3A_134 = vector.broadcast %mul3A_133 : i32 to vector<16xi32>
    %mul3A_135 = arith.muli %gather3A, %mul3A_134 : vector<16xi32>
    %add3A_136 = arith.addi %mul3A_135, %select_n3A_132 : vector<16xi32>
    %mul3A_137 = arith.constant 16 : i32
    %mul3A_138 = vector.broadcast %mul3A_137 : i32 to vector<16xi32>
    %mul3A_139 = arith.muli %add3A_136, %mul3A_138 : vector<16xi32>
    %add3A_140 = arith.addi %mul3A_139, %iota3A : vector<16xi32>
    tpu.vector_store_idx %arg9[%add3A_140], %broadcast_in_dim3A_1 masked %lt3A_5 {add = true} : memref<1600xf32, #tpu.memory_space<vmem>>[vector<16xi32>], vector<16xf32>, vector<16xi1>
    "tpu.region"() ({
      %run_scoped3A = tpu.sem_alloc : memref<!tpu.dma_semaphore, #tpu.memory_space<semaphore_mem>>
      %dma_start3A_141 = arith.constant 0 : i32
      %dma_start3A_142 = tpu.memref_slice %arg4[%add3A, %dma_start3A_141] : memref<32x1600xf32, #tpu.memory_space<hbm>> -> memref<1x1600xf32, #tpu.memory_space<hbm>>
      %dma_start3A_143 = tpu.memref_squeeze %dma_start3A_142 : memref<1x1600xf32, #tpu.memory_space<hbm>> -> memref<1600xf32, #tpu.memory_space<hbm>>
      %dma_start3A_144 = arith.constant 0 : i32
      %dma_start3A_145 = tpu.memref_slice %arg4[%add3A, %dma_start3A_144] : memref<32x1600xf32, #tpu.memory_space<hbm>> -> memref<1x1600xf32, #tpu.memory_space<hbm>>
      %dma_start3A_146 = tpu.memref_squeeze %dma_start3A_145 : memref<1x1600xf32, #tpu.memory_space<hbm>> -> memref<1600xf32, #tpu.memory_space<hbm>>
      tpu.enqueue_dma source(%arg9 : memref<1600xf32, #tpu.memory_space<vmem>>) target(%dma_start3A_146 : memref<1600xf32, #tpu.memory_space<hbm>>) target_semaphore(%run_scoped3A : memref<!tpu.dma_semaphore, #tpu.memory_space<semaphore_mem>>)
      %dma_wait3A_147 = arith.constant 0 : i32
      %dma_wait3A_148 = tpu.memref_slice %arg4[%add3A, %dma_wait3A_147] : memref<32x1600xf32, #tpu.memory_space<hbm>> -> memref<1x1600xf32, #tpu.memory_space<hbm>>
      %dma_wait3A_149 = tpu.memref_squeeze %dma_wait3A_148 : memref<1x1600xf32, #tpu.memory_space<hbm>> -> memref<1600xf32, #tpu.memory_space<hbm>>
      %dma_wait3A_150 = arith.constant 0 : i32
      %dma_wait3A_151 = tpu.memref_slice %arg4[%add3A, %dma_wait3A_150] : memref<32x1600xf32, #tpu.memory_space<hbm>> -> memref<1x1600xf32, #tpu.memory_space<hbm>>
      %dma_wait3A_152 = tpu.memref_squeeze %dma_wait3A_151 : memref<1x1600xf32, #tpu.memory_space<hbm>> -> memref<1600xf32, #tpu.memory_space<hbm>>
      tpu.wait_dma2 semaphore(%run_scoped3A : memref<!tpu.dma_semaphore, #tpu.memory_space<semaphore_mem>>) src(%arg9 : memref<1600xf32, #tpu.memory_space<vmem>>) dst(%dma_wait3A_152 : memref<1600xf32, #tpu.memory_space<hbm>>)
      tpu.yield
    }) : () -> ()
    return
  }
}

module attributes {stable_mosaic.version = 14 : i64} {
  func.func @_qwk_body(%arg0: memref<32x10x10x16xf32, #tpu.memory_space<vmem>>, %arg1: memref<1x1xf32, #tpu.memory_space<vmem>>) attributes {dimension_semantics = [], scalar_prefetch = 0 : i64, scratch_operands = 0 : i64, tpu.core_type = #tpu.core_type<tc>} {
    %get3A = arith.constant 0 : index
    %get3A_0 = arith.constant 0 : index
    %get3A_1 = arith.constant 0 : index
    %get3A_2 = arith.constant 0 : index
    %get3A_3 = vector.load %arg0[%get3A, %get3A_0, %get3A_1, %get3A_2] : memref<32x10x10x16xf32, #tpu.memory_space<vmem>>, vector<32x10x10x16xf32>
    %reduce_sum3A = arith.constant dense<0.000000e+00> : vector<10x10xf32>
    %reduce_sum3A_4 = vector.multi_reduction <add>, %get3A_3, %reduce_sum3A [0, 3] : vector<32x10x10x16xf32> to vector<10x10xf32>
    %div3A = arith.constant 4.000000e+06 : f32
    %div3A_5 = vector.broadcast %div3A : f32 to vector<10x10xf32>
    %div3A_6 = arith.divf %reduce_sum3A_4, %div3A_5 : vector<10x10xf32>
    %reduce_sum3A_7 = arith.constant dense<0.000000e+00> : vector<10xf32>
    %reduce_sum3A_8 = vector.multi_reduction <add>, %div3A_6, %reduce_sum3A_7 [1] : vector<10x10xf32> to vector<10xf32>
    %broadcast_in_dim3A = vector.shape_cast %reduce_sum3A_8 : vector<10xf32> to vector<10x1xf32>
    %reduce_sum3A_9 = arith.constant dense<0.000000e+00> : vector<10xf32>
    %reduce_sum3A_10 = vector.multi_reduction <add>, %div3A_6, %reduce_sum3A_9 [0] : vector<10x10xf32> to vector<10xf32>
    %broadcast_in_dim3A_11 = vector.shape_cast %reduce_sum3A_10 : vector<10xf32> to vector<1x10xf32>
    %mul3A = vector.broadcast %broadcast_in_dim3A : vector<10x1xf32> to vector<10x10xf32>
    %mul3A_12 = vector.broadcast %broadcast_in_dim3A_11 : vector<1x10xf32> to vector<10x10xf32>
    %mul3A_13 = arith.mulf %mul3A, %mul3A_12 : vector<10x10xf32>
    %iota3A = tpu.iota {dimensions = array<i32: 0>} : vector<10x10xi32>
    %convert_element_type3A = arith.sitofp %iota3A : vector<10x10xi32> to vector<10x10xf32>
    %iota3A_14 = tpu.iota {dimensions = array<i32: 1>} : vector<10x10xi32>
    %convert_element_type3A_15 = arith.sitofp %iota3A_14 : vector<10x10xi32> to vector<10x10xf32>
    %sub3A = arith.subf %convert_element_type3A, %convert_element_type3A_15 : vector<10x10xf32>
    %integer_pow3A = arith.mulf %sub3A, %sub3A : vector<10x10xf32>
    %div3A_16 = arith.constant 8.100000e+01 : f32
    %div3A_17 = vector.broadcast %div3A_16 : f32 to vector<10x10xf32>
    %div3A_18 = arith.divf %integer_pow3A, %div3A_17 : vector<10x10xf32>
    %sub3A_19 = arith.constant 1.000000e+00 : f32
    %sub3A_20 = vector.broadcast %sub3A_19 : f32 to vector<10x10xf32>
    %sub3A_21 = arith.subf %sub3A_20, %div3A_18 : vector<10x10xf32>
    %mul3A_22 = arith.mulf %sub3A_21, %div3A_6 : vector<10x10xf32>
    %reduce_sum3A_23 = vector.shape_cast %mul3A_22 : vector<10x10xf32> to vector<1x10x10xf32>
    %reduce_sum3A_24 = arith.constant dense<0.000000e+00> : vector<1xf32>
    %reduce_sum3A_25 = vector.multi_reduction <add>, %reduce_sum3A_23, %reduce_sum3A_24 [1, 2] : vector<1x10x10xf32> to vector<1xf32>
    %reduce_sum3A_26 = vector.shape_cast %reduce_sum3A_25 : vector<1xf32> to vector<1x1x1xf32>
    %reduce_sum3A_27 = vector.extract %reduce_sum3A_26[0, 0, 0] : f32 from vector<1x1x1xf32>
    %mul3A_28 = arith.mulf %sub3A_21, %mul3A_13 : vector<10x10xf32>
    %reduce_sum3A_29 = vector.shape_cast %mul3A_28 : vector<10x10xf32> to vector<1x10x10xf32>
    %reduce_sum3A_30 = arith.constant dense<0.000000e+00> : vector<1xf32>
    %reduce_sum3A_31 = vector.multi_reduction <add>, %reduce_sum3A_29, %reduce_sum3A_30 [1, 2] : vector<1x10x10xf32> to vector<1xf32>
    %reduce_sum3A_32 = vector.shape_cast %reduce_sum3A_31 : vector<1xf32> to vector<1x1x1xf32>
    %reduce_sum3A_33 = vector.extract %reduce_sum3A_32[0, 0, 0] : f32 from vector<1x1x1xf32>
    %jit3A = arith.constant 0.000000e+00 : f32
    %jit3A_34 = arith.constant 0.99999988 : f32
    %max3A = arith.maximumf %jit3A, %reduce_sum3A_33 : f32
    %min3A = arith.minimumf %jit3A_34, %max3A : f32
    %sub3A_35 = arith.subf %reduce_sum3A_27, %min3A : f32
    %sub3A_36 = arith.constant 1.000000e+00 : f32
    %sub3A_37 = arith.subf %sub3A_36, %min3A : f32
    %add3A = arith.constant 1.000000e-07 : f32
    %add3A_38 = arith.addf %sub3A_37, %add3A : f32
    %div3A_39 = arith.divf %sub3A_35, %add3A_38 : f32
    %jit3A_40 = arith.constant -1.000000e+00 : f32
    %jit3A_41 = arith.constant 1.000000e+00 : f32
    %max3A_42 = arith.maximumf %jit3A_40, %div3A_39 : f32
    %min3A_43 = arith.minimumf %jit3A_41, %max3A_42 : f32
    %sub3A_44 = arith.constant 1.000000e+00 : f32
    %sub3A_45 = arith.subf %sub3A_44, %min3A_43 : f32
    %reshape3A = vector.broadcast %sub3A_45 : f32 to vector<1x1xf32>
    %swap3A = arith.constant 0 : index
    %swap3A_46 = arith.constant 0 : index
    %swap3A_47 = vector.load %arg1[%swap3A, %swap3A_46] : memref<1x1xf32, #tpu.memory_space<vmem>>, vector<1x1xf32>
    tpu.vector_store %arg1[%swap3A, %swap3A_46], %reshape3A {strides = array<i32>} : memref<1x1xf32, #tpu.memory_space<vmem>>, vector<1x1xf32>,
    return
  }
}

</mosaic_0001>

<sc_bundles>
// kernel: kernel.4.cloned.1.call-start
scs
__scs_entry_jumppad:
0x0: {  	(pc) =	sbr.rel $0x88, $3  }
0x1: {  	(tag) =	ssettag $0x0;
	lr =	simm.s32 $0x1  }
0x2: {  	[smem:$0x3F9F] =	sst lr;
	_ =	strace $0xD0000000  }
0x3: {  	_ = 	snop  }
0x4: {  	_ = 	snop  }
0x5: {  	_ = 	snop  }
0x6: {  	_ = 	snop  }
0x7: {  	_ = 	snop  }
__scs_overlays_trampoline_lowered:
0x8: {  	[smem:$0x3FAE] =	sst s0  }
0x9: {  	[smem:$0x3FAF] =	sst s1  }
0xa: {  	[smem:$0x3FB0] =	sst s2  }
0xb: {  	[smem:$0x3FB1] =	sst s3  }
0xc: {  	[smem:$0x3FB2] =	sst s4  }
0xd: {  	[smem:$0x3FB3] =	sst s5  }
0xe: {  	[smem:$0x3FB4] =	sst s6  }
0xf: {  	[smem:$0x3FB5] =	sst s7  }
0x10: {  	[smem:$0x3FB6] =	sst s8  }
0x11: {  	[smem:$0x3FB7] =	sst s9;
	s0 =	simm.s32 @!p0 $0x0  }
0x12: {  	s1 =	sld [smem:$0x3F9D];
	s0 =	simm.s32 @p0 $0x1  }
0x13: {  	[smem:$0x3FB8] =	sst s0;
	s0 =	simm.s32 @!p1 $0x0  }
0x14: {  	s2 =	sld [smem:$0x3F9C];
	s0 =	simm.s32 @p1 $0x1  }
0x15: {  	[smem:$0x3FB9] =	sst s0;
	s0 =	simm.s32 @!p2 $0x0  }
0x16: {  	s3 =	sld [smem:$0x3FDB];
	s0 =	simm.s32 @p2 $0x1  }
0x17: {  	s4 =	simm.s32 $0x1BF5;
	[smem:$0x3FBB] =	sst s0  }
0x18: {  	s0 =	sld [smem:$0x3F9E];
	_ =	swait.ge [sflag:s4], $0x0  }
0x19: {  	s7 =	sld [smem:$0x3F9F]  }
0x1a: {  	s8 =	sadd.s32 $0xFFFFE003, lr  }
0x1b: {  	s9 =	sadd.s32 $0xFFFFFEF7, lr;
	s5 =	simm.s32 $0xFFFFFFFF;
	p2 =	slt.u32 s8, $0xFFFFF086  }
0x1c: {  	p1 =	slt.u32 s9, $0xF7A;
	s5 =	simm.s32 @!p2 $0x0  }
0x1d: {  	s5 =	simm.s32 @p1 $0x1;
	p0 =	seq.s32 s7, s2  }
0x1e: {  	s7 =	smul.u32 @!p0 $0xF7A, s2;
	p2 =	seq.s32 @!p0 s5, $0x0  }
0x1f: {  	s9 =	smul.u32 $0xF7A, s1;
	s8 =	simm.s32 @!p0 $0x1BF5;
	p2 =	por !p2, p0  }
0x20: {  	[sflag:s8] =	ssyncset.s32 @!p0 $0xFFFFF086;
	s6 =	sadd.s32 @!p0 s3, s7;
	s7 =	simm.s32 @!p0 $0x108  }
0x21: {  	s3 =	sadd.s32 s3, s9;
	s6 =	sadd.s32 @!p0 $0x88, s6;
	s7 =	simm.s32 @p2 $0x1082  }
0x22: {  	[simem:s7], [sflag:s8] =	dma.local @!p0 [hbm:s6], $0xF7A  }
0x23: {  	s9 =	sor.u32 $0xD0000000, s2;
	s6 =	simm.s32 $0x108;
	_ =	swait.ge @!p0 [sflag:s8], $0x0  }
0x24: {  	s3 =	sadd.s32 $0x88, s3;
	s6 =	simm.s32 @!p1 $0x1082;
	[sflag:s4] =	ssyncset.s32 $0xFFFFF086  }
0x25: {  	[simem:s6], [sflag:s4] =	dma.local [hbm:s3], $0xF7A  }
0x26: {  	[smem:$0x3F9F] =	sst s1;
	(tag) =	ssettag s2;
	_ =	strace s9  }
0x27: {  	s1 =	sld [smem:$0x3FAF]  }
0x28: {  	s2 =	sld [smem:$0x3FB0]  }
0x29: {  	s4 =	sld [smem:$0x3FB2]  }
0x2a: {  	p0 =	seq.s32 s5, $0x0;
	s5 =	sld [smem:$0x3FB3]  }
0x2b: {  	s6 =	sld [smem:$0x3FB4]  }
0x2c: {  	s7 =	sld [smem:$0x3FB5]  }
0x2d: {  	s3 =	simm.s32 $0x108;
	s8 =	sld [smem:$0x3FB6]  }
0x2e: {  	s3 =	simm.s32 @!p0 $0x1082;
	s9 =	sld [smem:$0x3FB7]  }
0x2f: {  	lr =	sadd.s32 s0, s3;
	s0 =	sld [smem:$0x3FAE]  }
0x30: {  	s3 =	sld [smem:$0x3FB1]  }
0x31: {  	[smem:$0x3FBA] =	sst s10  }
0x32: {  	s10 =	sld [smem:$0x3FB8];
	_ =	sdelay $0x3  }
0x33: {  	p0 =	seq.s32 s10, $0x1;
	s10 =	sld [smem:$0x3FBA];
	_ =	sdelay $0x3  }
0x34: {  	[smem:$0x3FBA] =	sst s10  }
0x35: {  	s10 =	sld [smem:$0x3FB9];
	_ =	sdelay $0x3  }
0x36: {  	p1 =	seq.s32 s10, $0x1;
	s10 =	sld [smem:$0x3FBA];
	_ =	sdelay $0x3  }
0x37: {  	[smem:$0x3FBA] =	sst s10  }
0x38: {  	s10 =	sld [smem:$0x3FBB]  }
0x39: {  	_ = 	snop;
	(pc) =	sbr.ind lr, $3  }
0x3a: {  	_ = 	snop  }
0x3b: {  	_ = 	snop  }
0x3c: {  	p2 =	seq.s32 s10, $0x1;
	s10 =	sld [smem:$0x3FBA]  }
0x3d: {  	_ =	shalt  }
0x3e: {  	_ =	shalt  }
0x3f: {  	_ =	shalt  }
0x40: {  	_ =	shalt  }
0x41: {  	_ =	shalt  }
0x42: {  	_ =	shalt  }
0x43: {  	_ =	shalt  }
0x44: {  	_ =	shalt  }
0x45: {  	_ =	shalt  }
0x46: {  	_ =	shalt  }
0x47: {  	_ =	shalt  }
0x48: {  	_ =	shalt  }
0x49: {  	_ =	shalt  }
0x4a: {  	_ =	shalt  }
0x4b: {  	_ =	shalt  }
0x4c: {  	_ =	shalt  }
0x4d: {  	_ =	shalt  }
0x4e: {  	_ =	shalt  }
0x4f: {  	_ =	shalt  }
0x50: {  	_ =	shalt  }
0x51: {  	_ =	shalt  }
0x52: {  	_ =	shalt  }
0x53: {  	_ =	shalt  }
0x54: {  	_ =	shalt  }
0x55: {  	_ =	shalt  }
0x56: {  	_ =	shalt  }
0x57: {  	_ =	shalt  }
0x58: {  	_ =	shalt  }
0x59: {  	_ =	shalt  }
0x5a: {  	_ =	shalt  }
0x5b: {  	_ =	shalt  }
0x5c: {  	_ =	shalt  }
0x5d: {  	_ =	shalt  }
0x5e: {  	_ =	shalt  }
0x5f: {  	_ =	shalt  }
0x60: {  	_ =	shalt  }
0x61: {  	_ =	shalt  }
0x62: {  	_ =	shalt  }
0x63: {  	_ =	shalt  }
0x64: {  	_ =	shalt  }
0x65: {  	_ =	shalt  }
0x66: {  	_ =	shalt  }
0x67: {  	_ =	shalt  }
0x68: {  	_ =	shalt  }
0x69: {  	_ =	shalt  }
0x6a: {  	_ =	shalt  }
0x6b: {  	_ =	shalt  }
0x6c: {  	_ =	shalt  }
0x6d: {  	_ =	shalt  }
0x6e: {  	_ =	shalt  }
0x6f: {  	_ =	shalt  }
0x70: {  	_ =	shalt  }
0x71: {  	_ =	shalt  }
0x72: {  	_ =	shalt  }
0x73: {  	_ =	shalt  }
0x74: {  	_ =	shalt  }
0x75: {  	_ =	shalt  }
0x76: {  	_ =	shalt  }
0x77: {  	_ =	shalt  }
0x78: {  	_ =	shalt  }
0x79: {  	_ =	shalt  }
0x7a: {  	_ =	shalt  }
0x7b: {  	_ =	shalt  }
0x7c: {  	_ =	shalt  }
0x7d: {  	_ =	shalt  }
0x7e: {  	_ =	shalt  }
0x7f: {  	_ =	shalt  }
0x80: {  	_ =	shalt  }
0x81: {  	_ =	shalt  }
0x82: {  	_ =	shalt  }
0x83: {  	_ =	shalt  }
0x84: {  	_ =	shalt  }
0x85: {  	_ =	shalt  }
0x86: {  	_ =	shalt  }
0x87: {  	_ =	shalt  }
.Lfunc_end0:
.L_simem_size_0:
called_computation_lowered:
.L_overlay_start_0:
0x88: {  	s2 =	sld [smem:$0x3FD9]  }
0x89: {  	s3 =	sld [smem:$0x3FFE];
	_ =	sdelay $0x1  }
0x8a: {  	s1 =	srdreg.scid  }
0x8b: {  	s0 =	sand.u32 $0x1, s1  }
0x8c: {  	s17 =	sshll.u32 s0, $0xA;
	s2 =	sadd.s32 s3, s2  }
0x8d: {  	s2 =	sadd.s32 s2, s17  }
0x8e: {  	[smem:$0x3FC6] =	sst s2  }
0x8f: {  	_ = 	snop  }
0x90: {  	s2 =	sld [smem:$0x3FC8];
	(tm) =	ssettm $0x1  }
0x91: {  	s18 =	sld [smem:$0x3FFB];
	_ =	sdelay $0x3  }
0x92: {  	_ =	strace s18  }
0x93: {  	s3 =	sld [smem:$0x3FFC];
	_ =	sdelay $0x3  }
0x94: {  	_ =	strace s3  }
0x95: {  	s3 =	sld [smem:$0x3FFD];
	_ =	sdelay $0x3  }
0x96: {  	_ =	strace s3  }
0x97: {  	_ =	strace $0x8FFFFFFF  }
0x98: {  	s19 =	sld [smem:$0x3FDB];
	_ =	sdelay $0x1  }
0x99: {  	s4 =	simm.s32 $_scs_section_size  }
0x9a: {  	s5 =	simm.s32 $_size__tile_overlayer_lowered;
	s6 =	simm.s32 $_tile_overlayer_lowered  }
0x9b: {  	s22 =	simm.s32 $0x1BFF;
	s21 =	sshll.u32 s6, $0x1;
	s3 =	sadd.s32 s4, s19  }
0x9c: {  	s7 =	simm.s32 $0x0;
	s20 =	sshll.u32 s5, $0x1;
	s5 =	sadd.s32 s21, s3  }
0x9d: {  	[timem:s7], [sflag:s22] =	dma.local [hbm:s5], s20  }
0x9e: {  	_ =	swait.ge [sflag:s22], s20  }
0x9f: {  	s4 =	ssub.s32 $0x0, s20;
	[sflag:s22] =	ssyncset.done $0x0  }
0xa0: {  	[sflag:s22] =	ssyncadd.s32 s4;
	_ =	sdelay $0x1  }
0xa1: {  	s23 =	simm.s32 $0x1B8B  }
0xa2: {  	_ =	swait.ge [sflag:s23], $0x1  }
0xa3: {  	[sflag:s23] =	ssyncset.done $0x0  }
0xa4: {  	s25 =	simm.s32 $0x1B8E;
	s24 =	sld [smem:$0x3FFE];
	[sflag:s23] =	ssyncadd.s32 $0xFFFFFFFF  }
0xa5: {  	s26 =	simm.s32 $execute0_lowered;
	[smem:$0x3FD2] =	sst s25  }
0xa6: {  	s5 =	sshll.u32 s26, $0x1;
	_ =	strace $0x80000046;
	[dreg:$0x1] =	wrdreg $0xFFFFFFFF  }
0xa7: {  	s28 =	simm.s32 $_size_execute0_lowered;
	s3 =	sadd.s32 s3, s5;
	[dreg:$0x0] =	wrdreg $0x0  }
0xa8: {  	s5 =	sshll.u32 s28, $0x1;
	[dreg:$0x2] =	wrdreg s3  }
0xa9: {  	[dreg:$0x3] =	wrdreg s5  }
0xaa: {  	[dreg:$0x4] =	wrdreg $0xC0  }
0xab: {  	_ =	task [dreg:s7], $0x5FFFF  }
0xac: {  	[dreg:$0x1] =	wrdreg $0xFFFFFFFF  }
0xad: {  	[dreg:$0x0] =	wrdreg $0x60  }
0xae: {  	[dreg:$0x2] =	wrdreg s24  }
0xaf: {  	[dreg:$0x3] =	wrdreg s2  }
0xb0: {  	[dreg:$0x4] =	wrdreg $0x9  }
0xb1: {  	_ =	task.clear_ibuf [dreg:s7], $0x5FFFF;
	_ =	strace $0x90000046  }
0xb2: {  	s29 =	simm.s32 $0x9;
	_ =	strace $0x80000048  }
0xb3: {  	_ =	swait.ge [sflag:s29], $0x1  }
0xb4: {  	[sflag:s29] =	ssyncadd.s32 $0xFFFFFFFF  }
0xb5: {  	_ =	strace $0x90000048  }
0xb6: {  	_ =	sfence  }
0xb7: {  	s30 =	sld [smem:$0x0];
	_ =	sdelay $0x2  }
0xb8: {  	s31 =	sshll.u32 s1, $0xD;
	s1 =	sshrl.u32 s1, $0x2  }
0xb9: {  	s3 =	sand.u32 $0x4000, s31;
	s1 =	sadd.s32 s1, s30  }
0xba: {  	s0 =	sor.u32 s3, s0;
	s1 =	sshll.u32 s1, $0x11  }
0xbb: {  	s0 =	sor.u32 s1, s0  }
0xbc: {  	s0 =	sadd.s32 $0x8F2B, s0  }
0xbd: {  	[sflag:s0] =	ssyncadd.remote.s32 $0x1  }
0xbe: {  	_ =	sfence.sel $0xFFFF  }
0xbf: {  	[dreg:$0x0] =	wrdreg $0xFFFFFFFF;
	(pc) =	sbr.abs _section_cstart, $3  }
0xc0: {  	[dreg:$0x1] =	wrdreg $0xFFFFFFFF  }
0xc1: {  	_ =	task.clear_ibuf [dreg:s7], $0x2FFFF;
	_ =	strace $0x9FFFFFFF  }
0xc2: {  	(tm) =	ssettm $0x7FFFFFFF  }
0xc3: {  	_ =	shalt  }
tec
execute0_lowered:
.L_overlay_start_1:
0x0: {  	(tag) =	ssettag $0x1  }
0x1: {  	s1 =	srdreg.scid;
	s5 =	rddreg [dreg:$0x0]  }
0x2: {  	s0 =	stileid.u32;
	s2 =	rddreg [dreg:$0x1]  }
0x3: {  	s3 =	simm.s32 $0x0;
	s12 =	simm.s32 $0x1;
	s13 =	simm.s32 $0x3F80  }
0x4: {  	s14 =	simm.s32 $0x82F8;
	s4 =	sand.u32 $0x1, s1;
	s30 =	sshll.u32 s0, $0x1  }
0x5: {  	v0 =	vlaneseq.u32;
	s15 =	simm.s32 $0x86F0;
	s16 =	simm.s32 $0x2;
	s6 =	sor.u32 s4, s30  }
0x6: {  	v1 =	vimm.f32 $0.0e+00;
	v3 =	vimm.s32 $0x3;
	v4 =	vimm.s32 $0x5;
	s17 =	simm.s32 $0x3;
	s18 =	simm.s32 $0x0;
	s7 =	smul.u32 $0xC8, s6  }
0x7: {  	v5 =	vimm.s32 $0x7;
	v6 =	vimm.s32 $0x9;
	s1 =	rddreg [dreg:$0x2];
	v20 =	vmul.u32 $0x10, v0;
	s8 =	ssub.s32 $0x2, s4;
	s9 =	smul.u32 $0x1E848, s6  }
0x8: {  	v7 =	vimm.s32 $0x0;
	v8 =	vimm.f32 $1.000000000e+00;
	[smem:$0x7FF] =	sst s3;
	v2 =	vor.u32 $0xFFFFFFE8, v0;
	s10 =	sshrl.u32 s8, $0x1;
	s6 =	smul.u32 $0x3D090, s6  }
0x9: {  	v9 =	vor.u32 $0xFFFFFFF8, v0;
	v10 =	vor.u32 $0x3E0, v0;
	_ =	strace $0x80000047;
	s4 =	sadd.s32 $0x400, s5;
	v11 =	vor.u32 $0x3E00, v20;
	s10 =	ssub.s32 s8, s10  }
0xa: {  	v12 =	vor.u32 $0x3E01, v20;
	v13 =	vor.u32 $0x3E02, v20;
	v14 =	vor.u32 $0x3E03, v20;
	s11 =	sadd.s32 s7, s5;
	s5 =	sadd.s32 s4, s6;
	s31 =	sshrl.u32 s9, $0x3  }
0xb: {  	v15 =	vor.u32 $0x3E04, v20;
	v16 =	vor.u32 $0x3E05, v20;
	v17 =	vor.u32 $0x3E06, v20;
	s6 =	sadd.s32 $0x3E8, s9;
	s8 =	sadd.s32 $0x7D0, s9;
	s10 =	smax.u32 s10, $0x1  }
0xc: {  	v18 =	vor.u32 $0x3E07, v20;
	v19 =	vor.u32 $0x3E08, v20;
	v20 =	vor.u32 $0x3E09, v20;
	s7 =	sadd.s32 s2, s31;
	s9 =	sadd.s32 $0x7A1600, s11;
	s11 =	simm.s32 $0x7F00  }
.LBB2_1:
0xd: {  	s19 =	simm.s32 $0x8710  }
0xe: {  	[tilespmem:s19+$0xFFFFFFE0] =	vst v1  }
0xf: {  	[tilespmem:s19+$0x10] =	vst v1  }
0x10: {  	s20 =	simm.s32 $0x0;
	[tilespmem:s19+$0x0] =	vst v1  }
.LBB2_2:
0x11: {  	s20 =	sadd.s32 $0x4, s20  }
0x12: {  	[tilespmem:s19+$0xFFFFFFF0] =	vst v1;
	s19 =	sadd.s32 $0x40, s19;
	p0 =	slt.u32 s20, $0x60  }
.Ltmp0:
0x13: {  	[tilespmem:s19+$0xFFFFFFE0] =	vst v1;
	(pc) =	sbr.rel @p0 .LBB2_2-.Ltmp0, $3  }
0x14: {  	_ =	sdelay $0x1  }
0x15: {  	[tilespmem:s19+$0x10] =	vst v1  }
0x16: {  	[tilespmem:s19+$0x0] =	vst v1  }
0x17: {  	[tilespmem:s19+$0xFFFFFFF0] =	vst v1;
	s19 =	simm.s32 $0x0  }
0x18: {  	[tilespmem:s19], [sflag:$0x1] =	stream.linear.gather [hbm4b:s5+s19], $0x3E80, $0x38;
	[tilespmem:$0x8D30] =	vst v63  }
0x19: {  	_ = 	snop  }
0x1a: {  	[tilespmem:s11], [sflag:$0x1] =	stream.linear.gather [hbm4b:s7+s19], $0x3E8, $0x38;
	[tilespmem:$0x8D30] =	vst v63  }
.LBB2_4:
0x1b: {  	_ =	swait.ge [sflag:s12], $0x3E80;
	s20 =	smul.u32 $0x7D0, s19  }
0x1c: {  	[sflag:s12] =	ssyncset.done $0x0  }
0x1d: {  	s23 =	simm.s32 $0x10;
	[sflag:s12] =	ssyncadd.s32 $0xFFFFC180;
	s21 =	sadd.s32 s20, s6  }
0x1e: {  	v21 =	vor.u32 s23, v0;
	_ =	swait.ge [sflag:s12], $0x3E8;
	s22 =	sshll.u32 s21, $0x1  }
0x1f: {  	s26 =	simm.s32 $0x0;
	v22 =	vshll.u32 v21, $0x4;
	[sflag:s12] =	ssyncset.done $0x0;
	s22 =	sand.u32 $0x1FFFFFF0, s22  }
0x20: {  	v23 =	vor.u32 $0x1, v22;
	s21 =	sshrl.u32 s21, $0x3;
	[sflag:s12] =	ssyncadd.s32 $0xFFFFFC18;
	s22 =	sadd.s32 s4, s22  }
0x21: {  	v24 =	vor.u32 s26, v0;
	v21 =	vand.u32 v9, v21;
	[tilespmem:s13], [sflag:$0x2] =	stream.linear.gather [hbm4b:s22+s3], $0x3E80, $0x38;
	[tilespmem:$0x8D30] =	vst v63  }
0x22: {  	v25 =	vand.u32 v2, v24;
	s21 =	sadd.s32 s2, s21  }
0x23: {  	v24 =	vshll.u32 v24, $0x4;
	[tilespmem:s14], [sflag:$0x2] =	stream.linear.gather [hbm4b:s21+s3], $0x3E8, $0x38;
	[tilespmem:$0x8D30] =	vst v63  }
0x24: {  	v27 =	vor.u32 $0x8, v24;
	v26 =	vld.idx.msk [tilespmem:v22+s3+$0x0], $0xffff  }
0x25: {  	v28 =	vor.u32 $0x9, v24;
	v23 =	vld.idx.msk [tilespmem:v23+s3+$0x0], $0xffff  }
0x26: {  	v29 =	vor.u32 $0x2, v24;
	v21 =	vld.idx.msk [tilespmem:v21+s11+$0x0], $0xffff  }
0x27: {  	v30 =	vor.u32 $0x3, v24;
	v25 =	vld.idx.msk [tilespmem:v25+s11+$0x0], $0xffff  }
0x28: {  	v32 =	vor.u32 $0x4, v24;
	v31 =	vld.idx.msk [tilespmem:v24+s3+$0x0], $0xffff  }
0x29: {  	s28 =	simm.s32 $0x30;
	v33 =	vor.u32 $0x5, v24;
	v27 =	vld.idx.msk [tilespmem:v27+s3+$0x0], $0xffff  }
0x2a: {  	v44 =	vor.u32 s28, v0;
	v35 =	vor.u32 $0x1, v24;
	v28 =	vld.idx.msk [tilespmem:v28+s3+$0x0], $0xffff  }
0x2b: {  	v45 =	vshll.u32 v44, $0x4;
	v29 =	vld.idx.msk [tilespmem:v29+s3+$0x0], $0xffff  }
0x2c: {  	v47 =	vor.u32 $0x1, v45;
	v30 =	vld.idx.msk [tilespmem:v30+s3+$0x0], $0xffff  }
0x2d: {  	v42 =	vor.u32 $0x8, v22;
	v32 =	vld.idx.msk [tilespmem:v32+s3+$0x0], $0xffff  }
0x2e: {  	v43 =	vor.u32 $0x9, v22;
	v33 =	vld.idx.msk [tilespmem:v33+s3+$0x0], $0xffff  }
0x2f: {  	v35 =	vld.idx.msk [tilespmem:v35+s3+$0x0], $0xffff  }
0x30: {  	v62 =	vld.idx.msk [tilespmem:v45+s3+$0x0], $0xffff  }
0x31: {  	v44 =	vand.u32 v9, v44;
	v63 =	vld.idx.msk [tilespmem:v47+s3+$0x0], $0xffff  }
0x32: {  	v34 =	vor.u32 $0x6, v24;
	v36 =	vor.u32 $0x2, v22;
	v37 =	vor.u32 $0x3, v22;
	v56 =	vld.idx.msk [tilespmem:v42+s3+$0x0], $0xffff  }
0x33: {  	v38 =	vor.u32 $0x4, v22;
	v39 =	vor.u32 $0x5, v22;
	v40 =	vor.u32 $0x6, v22;
	v57 =	vld.idx.msk [tilespmem:v43+s3+$0x0], $0xffff  }
0x34: {  	v41 =	vor.u32 $0x7, v22;
	v48 =	vor.u32 $0x2, v45;
	v24 =	vor.u32 $0x7, v24  }
0x35: {  	s29 =	simm.s32 $0x20;
	v42 =	vor.u32 $0x7, v45;
	v47 =	vor.u32 $0x8, v45;
	vm0 =	vge.f32 v26, v23  }
0x36: {  	v22 =	vmul.u32 $0xA, v21;
	v21 =	vor.u32 s29, v0;
	vm14 =	vge.f32 v29, v30  }
0x37: {  	vm1 =	vge.f32 v27, v28;
	v25 =	vmul.u32 $0xA, v25;
	vm2 =	vge.f32 v31, v35  }
0x38: {  	v34 =	vld.idx.msk [tilespmem:v34+s3+$0x0], $0xffff;
	vm3 =	vge.f32 v32, v33;
	vm10 =	vge.f32 v62, v63;
	vm7 =	vge.f32 v56, v57  }
0x39: {  	v24 =	vld.idx.msk [tilespmem:v24+s3+$0x0], $0xffff;
	vm0 =	vmneg vm0;
	v46 =	vand.u32 v2, v21;
	vm2 =	vmneg vm2  }
0x3a: {  	v29 =	vsel vm14, v29, v30;
	v27 =	vsel vm1, v27, v28;
	v58 =	vsel vm14, $0x2, v3  }
0x3b: {  	v30 =	vld.idx.msk [tilespmem:v36+s3+$0x0], $0xffff;
	v59 =	vsel vm3, $0x4, v4;
	v21 =	vshll.u32 v21, $0x4;
	v36 =	vor.u32 $0x4, v45  }
0x3c: {  	v54 =	vsel vm7, v56, v57;
	v56 =	vsel vm7, $0x8, v6;
	v23 =	vsel vm0, v23, v26  }
0x3d: {  	v26 =	vsel vm0, $0x1, v7;
	v28 =	vsel vm2, v35, v31;
	v31 =	vsel vm3, v32, v33  }
0x3e: {  	v49 =	vor.u32 $0x3, v21;
	v51 =	vor.u32 $0x4, v21;
	vm4 =	vge.f32 v34, v24  }
0x3f: {  	vm0 =	vmneg vm10;
	v52 =	vor.u32 $0x5, v21;
	v24 =	vsel vm4, v34, v24  }
0x40: {  	v43 =	vld.idx.msk [tilespmem:v44+s11+$0x0], $0xffff;
	vm15 =	vge.f32 v28, v29;
	v35 =	vsel vm0, v63, v62;
	vm5 =	vge.f32 v31, v24  }
0x41: {  	v32 =	vld.idx.msk [tilespmem:v37+s3+$0x0], $0xffff;
	v28 =	vsel vm15, v28, v29;
	v60 =	vsel vm4, $0x6, v5;
	v24 =	vsel vm5, v31, v24  }
0x42: {  	v37 =	vld.idx.msk [tilespmem:v40+s3+$0x0], $0xffff;
	v31 =	vsel vm2, $0x1, v7;
	v61 =	vsel vm5, v59, v60;
	vm8 =	vge.f32 v28, v24  }
0x43: {  	v29 =	vld.idx.msk [tilespmem:v39+s3+$0x0], $0xffff;
	v31 =	vsel vm15, v31, v58;
	v58 =	vor.u32 $0x2, v21;
	v24 =	vsel vm8, v28, v24  }
0x44: {  	v34 =	vld.idx.msk [tilespmem:v38+s3+$0x0], $0xffff;
	v28 =	vsel vm1, $0x8, v6;
	v31 =	vsel vm8, v31, v61;
	vm9 =	vge.f32 v24, v27  }
0x45: {  	v44 =	vsel vm0, $0x1, v7;
	v27 =	vld.idx.msk [tilespmem:v41+s3+$0x0], $0xffff;
	v28 =	vsel vm9, v31, v28;
	v31 =	vor.u32 $0x8, v21  }
0x46: {  	v39 =	vor.u32 $0x5, v45;
	vm11 =	vge.f32 v30, v32;
	v59 =	vor.u32 $0x6, v21  }
0x47: {  	v46 =	vld.idx.msk [tilespmem:v46+s11+$0x0], $0xffff;
	v30 =	vsel vm11, v30, v32;
	v25 =	vadd.s32 v25, v28;
	v28 =	vor.u32 $0x9, v21  }
0x48: {  	v50 =	vld.idx.msk [tilespmem:v21+s3+$0x0], $0xffff;
	v60 =	vor.u32 $0x7, v21;
	vm14 =	vge.f32 v23, v30;
	v21 =	vor.u32 $0x1, v21  }
0x49: {  	v23 =	vsel vm14, v23, v30;
	v61 =	vsel vm11, $0x2, v3;
	v24 =	vor.u32 $0x3, v45;
	v32 =	vld.idx.msk [tilespmem:v58+s3+$0x0], $0xffff  }
0x4a: {  	vm12 =	vge.f32 v34, v29;
	v25 =	vshll.u32 v25, $0x4;
	vm13 =	vge.f32 v37, v27;
	v31 =	vld.idx.msk [tilespmem:v31+s3+$0x0], $0xffff  }
0x4b: {  	v29 =	vsel vm12, v34, v29;
	v25 =	vor.u32 v0, v25;
	v27 =	vsel vm13, v37, v27;
	v37 =	vld.idx.msk [tilespmem:v49+s3+$0x0], $0xffff  }
0x4c: {  	v41 =	vor.u32 $0x6, v45;
	v45 =	vor.u32 $0x9, v45;
	v28 =	vld.idx.msk [tilespmem:v28+s3+$0x0], $0xffff;
	vm15 =	vge.f32 v29, v27  }
0x4d: {  	s31 =	simm.s32 $0x40;
	v26 =	vsel vm14, v26, v61;
	v62 =	vsel vm12, $0x4, v4;
	v57 =	vld.idx.msk [tilespmem:v21+s3+$0x0], $0xffff;
	v27 =	vsel vm15, v29, v27  }
0x4e: {  	v30 =	vld.idx.msk [tilespmem:v51+s3+$0x0], $0xffff;
	v58 =	vor.u32 s31, v0;
	v63 =	vsel vm13, $0x6, v5;
	vm6 =	vge.f32 v23, v27  }
0x4f: {  	v21 =	vmul.u32 $0xA, v43;
	v29 =	vld.idx.msk [tilespmem:v52+s3+$0x0], $0xffff;
	v55 =	vsel vm15, v62, v63;
	v23 =	vsel vm6, v23, v27  }
0x50: {  	s30 =	simm.s32 $0x50;
	[tilespmem:v25+s15+$0x0] =	vst.idx.add.f32.msk $0xffff, v8;
	v25 =	vmul.u32 $0xA, v46;
	v26 =	vsel vm6, v26, v55;
	vm8 =	vge.f32 v23, v54  }
0x51: {  	v33 =	vld.idx.msk [tilespmem:v59+s3+$0x0], $0xffff;
	vm9 =	vge.f32 v32, v37;
	v23 =	vsel vm8, v26, v56;
	v26 =	vor.u32 s30, v0  }
0x52: {  	v24 =	vld.idx.msk [tilespmem:v24+s3+$0x0], $0xffff;
	vm10 =	vge.f32 v31, v28;
	vm11 =	vge.f32 v50, v57;
	v32 =	vsel vm9, v32, v37  }
0x53: {  	v46 =	vld.idx.msk [tilespmem:v48+s3+$0x0], $0xffff;
	v56 =	vshll.u32 v58, $0x4;
	v54 =	vand.u32 v9, v26;
	v55 =	vshll.u32 v26, $0x4  }
0x54: {  	v27 =	vld.idx.msk [tilespmem:v60+s3+$0x0], $0xffff;
	v26 =	vand.u32 v2, v58;
	vm12 =	vge.f32 v30, v29;
	vm2 =	vmneg vm11  }
0x55: {  	v28 =	vsel vm10, v31, v28;
	v48 =	vadd.s32 v22, v23;
	v34 =	vor.u32 $0x8, v56  }
0x56: {  	v39 =	vld.idx.msk [tilespmem:v39+s3+$0x0], $0xffff;
	v53 =	vor.u32 $0x5, v56;
	v59 =	vor.u32 $0x1, v55;
	v60 =	vor.u32 $0x2, v55  }
0x57: {  	v37 =	vld.idx.msk [tilespmem:v36+s3+$0x0], $0xffff;
	v31 =	vsel vm2, v57, v50;
	v29 =	vsel vm12, v30, v29;
	v30 =	vsel vm9, $0x2, v3  }
0x58: {  	v41 =	vld.idx.msk [tilespmem:v41+s3+$0x0], $0xffff;
	v61 =	vsel vm12, $0x4, v4;
	v49 =	vor.u32 $0x3, v55;
	v57 =	vor.u32 $0x9, v56  }
0x59: {  	v45 =	vld.idx.msk [tilespmem:v45+s3+$0x0], $0xffff;
	vm8 =	vge.f32 v46, v24;
	vm13 =	vge.f32 v33, v27;
	vm14 =	vge.f32 v31, v32  }
0x5a: {  	v24 =	vsel vm8, v46, v24;
	v27 =	vsel vm13, v33, v27;
	v31 =	vsel vm14, v31, v32;
	v32 =	vld.idx.msk [tilespmem:v42+s3+$0x0], $0xffff  }
0x5b: {  	v62 =	vsel vm13, $0x6, v5;
	v42 =	vld.idx.msk [tilespmem:v47+s3+$0x0], $0xffff;
	vm11 =	vge.f32 v35, v24;
	vm15 =	vge.f32 v29, v27  }
0x5c: {  	vm9 =	vge.f32 v37, v39;
	v35 =	vsel vm11, v35, v24;
	v27 =	vsel vm15, v29, v27;
	v50 =	vld.idx.msk [tilespmem:v54+s11+$0x0], $0xffff  }
0x5d: {  	v29 =	vsel vm2, $0x1, v7;
	v33 =	vld.idx.msk [tilespmem:v26+s11+$0x0], $0xffff;
	v26 =	vor.u32 $0x8, v55;
	v54 =	vor.u32 $0x1, v56  }
0x5e: {  	v63 =	vld.idx.msk [tilespmem:v55+s3+$0x0], $0xffff;
	vm4 =	vge.f32 v31, v27;
	v29 =	vsel vm14, v29, v30;
	v30 =	vsel vm15, v61, v62  }
0x5f: {  	v23 =	vld.idx.msk [tilespmem:v59+s3+$0x0], $0xffff;
	v59 =	vor.u32 $0x2, v56;
	v61 =	vor.u32 $0x4, v56;
	v27 =	vsel vm4, v31, v27  }
0x60: {  	v34 =	vld.idx.msk [tilespmem:v34+s3+$0x0], $0xffff;
	v31 =	vsel vm10, $0x8, v6;
	v29 =	vsel vm4, v29, v30;
	vm6 =	vge.f32 v27, v28  }
0x61: {  	v36 =	vld.idx.msk [tilespmem:v57+s3+$0x0], $0xffff;
	v62 =	vor.u32 $0x6, v56;
	v57 =	vor.u32 $0x7, v56;
	v22 =	vsel vm6, v29, v31  }
0x62: {  	v40 =	vld.idx.msk [tilespmem:v53+s3+$0x0], $0xffff;
	v28 =	vor.u32 $0x6, v55;
	v27 =	vor.u32 $0x7, v55;
	v25 =	vadd.s32 v25, v22  }
0x63: {  	vm10 =	vge.f32 v41, v32;
	v22 =	vld.idx.msk [tilespmem:v60+s3+$0x0], $0xffff;
	v60 =	vor.u32 $0x3, v56;
	v25 =	vshll.u32 v25, $0x4  }
0x64: {  	v30 =	vld.idx.msk [tilespmem:v56+s3+$0x0], $0xffff;
	vm14 =	vge.f32 v42, v45;
	vm7 =	vge.f32 v63, v23;
	v58 =	vor.u32 v0, v25  }
0x65: {  	v31 =	vor.u32 $0x4, v55;
	v29 =	vor.u32 $0x5, v55;
	v38 =	vld.idx.msk [tilespmem:v61+s3+$0x0], $0xffff;
	vm0 =	vmneg vm7  }
0x66: {  	v32 =	vsel vm10, v41, v32;
	v41 =	vld.idx.msk [tilespmem:v62+s3+$0x0], $0xffff;
	v23 =	vsel vm0, v23, v63;
	v63 =	vsel vm9, v37, v39  }
0x67: {  	v61 =	vsel vm14, v42, v45;
	v42 =	vmul.u32 $0xA, v50;
	v37 =	vld.idx.msk [tilespmem:v59+s3+$0x0], $0xffff;
	vm12 =	vge.f32 v63, v32  }
0x68: {  	v25 =	vor.u32 $0x9, v55;
	v59 =	vsel vm9, $0x4, v4;
	v39 =	vld.idx.msk [tilespmem:v60+s3+$0x0], $0xffff;
	v32 =	vsel vm12, v63, v32  }
0x69: {  	v60 =	vsel vm10, $0x6, v5;
	vm13 =	vge.f32 v35, v32;
	[tilespmem:v58+s15+$0x0] =	vst.idx.add.f32.msk $0xffff, v8;
	v58 =	vsel vm8, $0x2, v3  }
0x6a: {  	v43 =	vld.idx.msk [tilespmem:v57+s3+$0x0], $0xffff;
	v62 =	vsel vm12, v59, v60;
	v32 =	vsel vm13, v35, v32;
	v44 =	vsel vm11, v44, v58  }
0x6b: {  	v45 =	vld.idx.msk [tilespmem:v54+s3+$0x0], $0xffff;
	v63 =	vsel vm14, $0x8, v6;
	vm15 =	vge.f32 v32, v61;
	v44 =	vsel vm13, v44, v62  }
0x6c: {  	s22 =	simm.s32 $0x70;
	s21 =	simm.s32 $0x4;
	v24 =	vsel vm0, $0x1, v7;
	v32 =	vld.idx.msk [tilespmem:v49+s3+$0x0], $0xffff;
	v46 =	vsel vm15, v44, v63;
	v44 =	vshll.u32 v48, $0x4  }
.LBB2_5:
0x6d: {  	s23 =	sadd.s32 $0xFFFFFFF0, s22;
	v47 =	vor.u32 s22, v0;
	v48 =	vld.idx.msk [tilespmem:v31+s3+$0x0], $0xffff;
	v35 =	vadd.s32 v21, v46;
	v31 =	vor.u32 v0, v44;
	v21 =	vmovc v42  }
0x6e: {  	v42 =	vor.u32 s23, v0;
	v44 =	vand.u32 v9, v47;
	v46 =	vshll.u32 v47, $0x4;
	v47 =	vld.idx.msk [tilespmem:v29+s3+$0x0], $0xffff  }
0x6f: {  	v49 =	vand.u32 v2, v42;
	v29 =	vor.u32 $0x1, v46;
	v50 =	vor.u32 $0x2, v46;
	v51 =	vld.idx.msk [tilespmem:v28+s3+$0x0], $0xffff  }
0x70: {  	vm1 =	vge.f32 v37, v39;
	vm0 =	vge.f32 v34, v36;
	v28 =	vmul.u32 $0xA, v33;
	v52 =	vld.idx.msk [tilespmem:v27+s3+$0x0], $0xffff  }
0x71: {  	vm3 =	vge.f32 v38, v40;
	vm4 =	vge.f32 v41, v43;
	vm2 =	vge.f32 v30, v45;
	v53 =	vld.idx.msk [tilespmem:v26+s3+$0x0], $0xffff  }
0x72: {  	v27 =	vsel vm0, v34, v36;
	vm2 =	vmneg vm2;
	v26 =	vsel vm1, v37, v39;
	v54 =	vld.idx.msk [tilespmem:v25+s3+$0x0], $0xffff  }
0x73: {  	v33 =	vsel vm4, v41, v43;
	v25 =	vsel vm2, v45, v30;
	v30 =	vsel vm3, v38, v40;
	v37 =	vld.idx.msk [tilespmem:v46+s3+$0x0], $0xffff  }
0x74: {  	vm5 =	vge.f32 v30, v33;
	v38 =	vld.idx.msk [tilespmem:v29+s3+$0x0], $0xffff;
	v29 =	vsel vm1, $0x2, v3;
	vm1 =	vge.f32 v25, v26  }
0x75: {  	v34 =	vsel vm3, $0x4, v4;
	v39 =	vld.idx.msk [tilespmem:v50+s3+$0x0], $0xffff;
	v25 =	vsel vm1, v25, v26;
	v26 =	vsel vm5, v30, v33  }
0x76: {  	v30 =	vsel vm2, $0x1, v7;
	v33 =	vsel vm4, $0x6, v5;
	v44 =	vld.idx.msk [tilespmem:v44+s11+$0x0], $0xffff;
	vm2 =	vge.f32 v25, v26  }
0x77: {  	v29 =	vsel vm1, v30, v29;
	v30 =	vsel vm5, v34, v33;
	v25 =	vsel vm2, v25, v26  }
0x78: {  	v26 =	vsel vm0, $0x8, v6;
	v29 =	vsel vm2, v29, v30;
	vm0 =	vge.f32 v25, v27;
	[tilespmem:v31+s15+$0x0] =	vst.idx.add.f32.msk $0xffff, v8  }
0x79: {  	v40 =	vshll.u32 v42, $0x4;
	v50 =	vor.u32 $0x3, v46;
	v25 =	vsel vm0, v29, v26  }
0x7a: {  	v34 =	vor.u32 $0x8, v40;
	v31 =	vor.u32 $0x4, v46;
	v25 =	vadd.s32 v28, v25  }
0x7b: {  	v36 =	vor.u32 $0x9, v40;
	v29 =	vor.u32 $0x5, v46;
	v25 =	vshll.u32 v25, $0x4  }
0x7c: {  	v27 =	vor.u32 $0x7, v46;
	v28 =	vor.u32 $0x6, v46;
	v41 =	vor.u32 v0, v25  }
0x7d: {  	v42 =	vor.u32 $0x2, v40;
	v26 =	vor.u32 $0x8, v46;
	v25 =	vor.u32 $0x9, v46;
	v33 =	vld.idx.msk [tilespmem:v49+s11+$0x0], $0xffff  }
0x7e: {  	v43 =	vor.u32 $0x3, v40;
	vm1 =	vge.f32 v37, v38;
	vm0 =	vge.f32 v22, v32;
	v30 =	vld.idx.msk [tilespmem:v40+s3+$0x0], $0xffff  }
0x7f: {  	v45 =	vor.u32 $0x4, v40;
	vm2 =	vge.f32 v48, v47;
	vm1 =	vmneg vm1;
	v34 =	vld.idx.msk [tilespmem:v34+s3+$0x0], $0xffff  }
0x80: {  	s21 =	sadd.s32 $0x2, s21;
	vm3 =	vge.f32 v51, v52;
	v38 =	vsel vm1, v38, v37;
	v46 =	vor.u32 $0x5, v40;
	v36 =	vld.idx.msk [tilespmem:v36+s3+$0x0], $0xffff  }
0x81: {  	p0 =	slt.u32 s21, $0x3C;
	v32 =	vsel vm0, v22, v32;
	v49 =	vor.u32 $0x6, v40;
	[tilespmem:v41+s15+$0x0] =	vst.idx.add.f32.msk $0xffff, v8;
	v41 =	vsel vm2, v48, v47  }
0x82: {  	v22 =	vmovc v39;
	vm4 =	vge.f32 v23, v32;
	v47 =	vsel vm3, v51, v52;
	v37 =	vld.idx.msk [tilespmem:v42+s3+$0x0], $0xffff;
	v42 =	vor.u32 $0x7, v40  }
0x83: {  	v32 =	vsel vm4, v23, v32;
	v23 =	vmovc v38;
	v48 =	vor.u32 $0x1, v40;
	vm5 =	vge.f32 v41, v47;
	v39 =	vld.idx.msk [tilespmem:v43+s3+$0x0], $0xffff  }
0x84: {  	v43 =	vsel vm0, $0x2, v3;
	v47 =	vsel vm5, v41, v47;
	v38 =	vld.idx.msk [tilespmem:v45+s3+$0x0], $0xffff;
	v45 =	vsel vm1, $0x1, v7  }
.Ltmp1:
0x85: {  	v51 =	vsel vm3, $0x6, v5;
	vm0 =	vge.f32 v32, v47;
	v40 =	vld.idx.msk [tilespmem:v46+s3+$0x0], $0xffff;
	v46 =	vsel vm2, $0x4, v4;
	(pc) =	sbr.rel @p0 .LBB2_5-.Ltmp1, $4  }
0x86: {  	vm1 =	vge.f32 v53, v54;
	v32 =	vsel vm0, v32, v47;
	v41 =	vld.idx.msk [tilespmem:v49+s3+$0x0], $0xffff;
	v49 =	vsel vm4, v24, v43  }
0x87: {  	v47 =	vsel vm1, v53, v54;
	v52 =	vsel vm1, $0x8, v6;
	v46 =	vsel vm5, v46, v51;
	v24 =	vmovc v45;
	v43 =	vld.idx.msk [tilespmem:v42+s3+$0x0], $0xffff  }
0x88: {  	v42 =	vmul.u32 $0xA, v44;
	v44 =	vsel vm0, v49, v46;
	vm0 =	vge.f32 v32, v47;
	v45 =	vld.idx.msk [tilespmem:v48+s3+$0x0], $0xffff  }
0x89: {  	s22 =	sadd.s32 $0x20, s22;
	v46 =	vsel vm0, v44, v52;
	v44 =	vshll.u32 v35, $0x4;
	v32 =	vld.idx.msk [tilespmem:v50+s3+$0x0], $0xffff  }
0x8a: {  	_ =	sdelay $0x3  }
0x8b: {  	vm0 =	vge.f32 v37, v39;
	v31 =	vld.idx.msk [tilespmem:v31+s3+$0x0], $0xffff  }
0x8c: {  	vm1 =	vge.f32 v34, v36;
	v33 =	vmul.u32 $0xA, v33;
	vm3 =	vge.f32 v38, v40;
	v29 =	vld.idx.msk [tilespmem:v29+s3+$0x0], $0xffff  }
0x8d: {  	v28 =	vld.idx.msk [tilespmem:v28+s3+$0x0], $0xffff;
	v21 =	vadd.s32 v21, v46;
	v35 =	vsel vm0, v37, v39;
	v34 =	vsel vm1, v34, v36  }
0x8e: {  	v27 =	vld.idx.msk [tilespmem:v27+s3+$0x0], $0xffff;
	v47 =	vsel vm3, v38, v40;
	v49 =	vsel vm0, $0x2, v3;
	v50 =	vsel vm3, $0x4, v4  }
0x8f: {  	v54 =	vsel vm1, $0x8, v6;
	v21 =	vshll.u32 v21, $0x4;
	vm4 =	vge.f32 v41, v43  }
0x90: {  	vm2 =	vge.f32 v30, v45;
	v48 =	vsel vm4, v41, v43;
	v53 =	vsel vm4, $0x6, v5  }
0x91: {  	vm2 =	vmneg vm2;
	vm5 =	vge.f32 v47, v48;
	vm11 =	vge.f32 v22, v32  }
0x92: {  	v30 =	vsel vm2, v45, v30;
	v51 =	vsel vm5, v47, v48;
	v52 =	vsel vm2, $0x1, v7  }
0x93: {  	v37 =	vsel vm5, v50, v53;
	vm12 =	vge.f32 v31, v29;
	vm13 =	vge.f32 v28, v27  }
0x94: {  	v26 =	vld.idx.msk [tilespmem:v26+s3+$0x0], $0xffff;
	v22 =	vsel vm11, v22, v32;
	vm8 =	vge.f32 v30, v35;
	v29 =	vsel vm12, v31, v29  }
0x95: {  	v25 =	vld.idx.msk [tilespmem:v25+s3+$0x0], $0xffff;
	v27 =	vsel vm13, v28, v27;
	vm14 =	vge.f32 v23, v22;
	v28 =	vsel vm12, $0x4, v4  }
0x96: {  	v30 =	vsel vm8, v30, v35;
	v36 =	vsel vm8, v52, v49;
	v22 =	vsel vm14, v23, v22  }
0x97: {  	vm15 =	vge.f32 v29, v27;
	v23 =	vsel vm11, $0x2, v3;
	vm9 =	vge.f32 v30, v51  }
0x98: {  	v27 =	vsel vm15, v29, v27;
	v29 =	vsel vm13, $0x6, v5;
	v23 =	vsel vm14, v24, v23  }
0x99: {  	v30 =	vsel vm9, v30, v51;
	v36 =	vsel vm9, v36, v37;
	vm8 =	vge.f32 v22, v27  }
0x9a: {  	vm9 =	vge.f32 v26, v25;
	vm10 =	vge.f32 v30, v34;
	v22 =	vsel vm8, v22, v27  }
0x9b: {  	v24 =	vsel vm9, v26, v25;
	v25 =	vsel vm15, v28, v29;
	v26 =	vsel vm9, $0x8, v6  }
0x9c: {  	v30 =	vsel vm10, v36, v54;
	v23 =	vsel vm8, v23, v25;
	vm10 =	vge.f32 v22, v24  }
0x9d: {  	v21 =	vor.u32 v0, v21;
	v30 =	vadd.s32 v33, v30;
	v23 =	vsel vm10, v23, v26  }
0x9e: {  	v22 =	vor.u32 v0, v44;
	v24 =	vshll.u32 v30, $0x4;
	v23 =	vadd.s32 v42, v23  }
0x9f: {  	v24 =	vor.u32 v0, v24;
	v23 =	vshll.u32 v23, $0x4  }
0xa0: {  	v23 =	vor.u32 v0, v23;
	_ =	sdelay $0x1  }
0xa1: {  	[tilespmem:v21+s15+$0x0] =	vst.idx.add.f32.msk $0xffff, v8  }
0xa2: {  	[tilespmem:v22+s15+$0x0] =	vst.idx.add.f32.msk $0xffff, v8  }
0xa3: {  	[tilespmem:v24+s15+$0x0] =	vst.idx.add.f32.msk $0xffff, v8  }
0xa4: {  	[tilespmem:v23+s15+$0x0] =	vst.idx.add.f32.msk $0xffff, v8  }
0xa5: {  	v21 =	vld.idx.msk [tilespmem:v11+s3+$0x0], $0xff  }
0xa6: {  	v22 =	vld.idx.msk [tilespmem:v12+s3+$0x0], $0xff  }
0xa7: {  	v23 =	vld.idx.msk [tilespmem:v13+s3+$0x0], $0xff  }
0xa8: {  	v24 =	vld.idx.msk [tilespmem:v14+s3+$0x0], $0xff  }
0xa9: {  	v25 =	vld.idx.msk [tilespmem:v15+s3+$0x0], $0xff  }
0xaa: {  	v26 =	vld.idx.msk [tilespmem:v16+s3+$0x0], $0xff  }
0xab: {  	v27 =	vld.idx.msk [tilespmem:v17+s3+$0x0], $0xff  }
0xac: {  	v28 =	vld.idx.msk [tilespmem:v18+s3+$0x0], $0xff  }
0xad: {  	v29 =	vld.idx.msk [tilespmem:v19+s3+$0x0], $0xff  }
0xae: {  	v30 =	vld.idx.msk [tilespmem:v20+s3+$0x0], $0xff;
	_ =	sdelay $0x3  }
0xaf: {  	vm11 =	vge.f32 v21, v22;
	vm12 =	vge.f32 v23, v24;
	vm13 =	vge.f32 v25, v26  }
0xb0: {  	vm14 =	vge.f32 v27, v28;
	vm5 =	vge.f32 v29, v30;
	vm0 =	vmneg vm11  }
0xb1: {  	v23 =	vsel vm12, v23, v24;
	v24 =	vsel vm12, $0x2, v3;
	v25 =	vsel vm13, v25, v26  }
0xb2: {  	v31 =	vld.idx.msk [tilespmem:v10+s11+$0x0], $0xff;
	v26 =	vsel vm13, $0x4, v4;
	v27 =	vsel vm14, v27, v28;
	v21 =	vsel vm0, v22, v21  }
0xb3: {  	v28 =	vsel vm14, $0x6, v5;
	vm4 =	vge.f32 v25, v27;
	vm15 =	vge.f32 v21, v23  }
0xb4: {  	v22 =	vsel vm0, $0x1, v7;
	v21 =	vsel vm15, v21, v23;
	v23 =	vsel vm4, v25, v27  }
0xb5: {  	v25 =	vsel vm5, v29, v30;
	v27 =	vsel vm5, $0x8, v6;
	vm6 =	vge.f32 v21, v23  }
0xb6: {  	v22 =	vsel vm15, v22, v24;
	v24 =	vsel vm4, v26, v28;
	v21 =	vsel vm6, v21, v23  }
0xb7: {  	v22 =	vsel vm6, v22, v24;
	vm7 =	vge.f32 v21, v25;
	v21 =	vmul.u32 $0xA, v31  }
0xb8: {  	v22 =	vsel vm7, v22, v27  }
0xb9: {  	v21 =	vadd.s32 v21, v22  }
0xba: {  	v21 =	vshll.u32 v21, $0x4  }
0xbb: {  	v21 =	vor.u32 v0, v21;
	_ =	sdelay $0x4  }
0xbc: {  	[tilespmem:v21+s15+$0x0] =	vst.idx.add.f32.msk $0xff, v8  }
0xbd: {  	_ =	swait.ge [sflag:s16], $0x3E80  }
0xbe: {  	[sflag:s16] =	ssyncset.done $0x0  }
0xbf: {  	s20 =	sadd.s32 s20, s8;
	s22 =	simm.s32 $0x10;
	[sflag:s16] =	ssyncadd.s32 $0xFFFFC180  }
0xc0: {  	s21 =	sshll.u32 s20, $0x1;
	v21 =	vor.u32 s22, v0;
	_ =	swait.ge [sflag:s16], $0x3E8  }
0xc1: {  	s26 =	simm.s32 $0x0;
	s21 =	sand.u32 $0x1FFFFFF0, s21;
	v22 =	vshll.u32 v21, $0x4;
	[sflag:s16] =	ssyncset.done $0x0  }
0xc2: {  	s20 =	sshrl.u32 s20, $0x3;
	s21 =	sadd.s32 s4, s21;
	v23 =	vor.u32 $0x1, v22;
	[sflag:s16] =	ssyncadd.s32 $0xFFFFFC18  }
0xc3: {  	v24 =	vor.u32 s26, v0;
	v21 =	vand.u32 v9, v21;
	[tilespmem:s3], [sflag:$0x1] =	stream.linear.gather [hbm4b:s21+s3], $0x3E80, $0x38;
	[tilespmem:$0x8D30] =	vst v63  }
0xc4: {  	s20 =	sadd.s32 s2, s20;
	v25 =	vand.u32 v2, v24  }
0xc5: {  	v24 =	vshll.u32 v24, $0x4;
	[tilespmem:s11], [sflag:$0x1] =	stream.linear.gather [hbm4b:s20+s3], $0x3E8, $0x38;
	[tilespmem:$0x8D30] =	vst v63  }
0xc6: {  	v27 =	vor.u32 $0x8, v24;
	v26 =	vld.idx.msk [tilespmem:v22+s13+$0x0], $0xffff  }
0xc7: {  	v28 =	vor.u32 $0x9, v24;
	v23 =	vld.idx.msk [tilespmem:v23+s13+$0x0], $0xffff  }
0xc8: {  	v29 =	vor.u32 $0x2, v24;
	v21 =	vld.idx.msk [tilespmem:v21+s14+$0x0], $0xffff  }
0xc9: {  	v30 =	vor.u32 $0x3, v24;
	v25 =	vld.idx.msk [tilespmem:v25+s14+$0x0], $0xffff  }
0xca: {  	v55 =	vor.u32 $0x4, v24;
	v31 =	vld.idx.msk [tilespmem:v24+s13+$0x0], $0xffff  }
0xcb: {  	v56 =	vor.u32 $0x5, v24;
	v27 =	vld.idx.msk [tilespmem:v27+s13+$0x0], $0xffff  }
0xcc: {  	s28 =	simm.s32 $0x30;
	v57 =	vor.u32 $0x6, v24;
	v28 =	vld.idx.msk [tilespmem:v28+s13+$0x0], $0xffff  }
0xcd: {  	v53 =	vor.u32 s28, v0;
	v58 =	vor.u32 $0x1, v24;
	v29 =	vld.idx.msk [tilespmem:v29+s13+$0x0], $0xffff  }
0xce: {  	v54 =	vshll.u32 v53, $0x4;
	v63 =	vor.u32 $0x6, v22;
	v30 =	vld.idx.msk [tilespmem:v30+s13+$0x0], $0xffff  }
0xcf: {  	v44 =	vand.u32 v9, v53;
	v47 =	vor.u32 $0x1, v54;
	v32 =	vld.idx.msk [tilespmem:v55+s13+$0x0], $0xffff  }
0xd0: {  	v48 =	vor.u32 $0x2, v54;
	v36 =	vor.u32 $0x4, v54;
	v39 =	vor.u32 $0x5, v54;
	v33 =	vld.idx.msk [tilespmem:v56+s13+$0x0], $0xffff  }
0xd1: {  	v41 =	vor.u32 $0x6, v54;
	v45 =	vor.u32 $0x9, v54;
	v24 =	vor.u32 $0x7, v24;
	v34 =	vld.idx.msk [tilespmem:v57+s13+$0x0], $0xffff  }
0xd2: {  	v42 =	vor.u32 $0x7, v54;
	v59 =	vor.u32 $0x2, v22;
	v60 =	vor.u32 $0x3, v22;
	v35 =	vld.idx.msk [tilespmem:v58+s13+$0x0], $0xffff  }
0xd3: {  	v61 =	vor.u32 $0x4, v22;
	v62 =	vor.u32 $0x5, v22;
	v52 =	vor.u32 $0x9, v22;
	v37 =	vld.idx.msk [tilespmem:v63+s13+$0x0], $0xffff  }
0xd4: {  	s29 =	simm.s32 $0x20;
	v56 =	vor.u32 $0x7, v22;
	v57 =	vor.u32 $0x8, v22;
	v63 =	vld.idx.msk [tilespmem:v47+s13+$0x0], $0xffff;
	v47 =	vor.u32 $0x8, v54  }
0xd5: {  	vm8 =	vge.f32 v26, v23;
	v22 =	vmul.u32 $0xA, v21;
	v21 =	vor.u32 s29, v0  }
0xd6: {  	v24 =	vld.idx.msk [tilespmem:v24+s13+$0x0], $0xffff;
	vm9 =	vge.f32 v29, v30;
	vm10 =	vge.f32 v27, v28;
	v25 =	vmul.u32 $0xA, v25  }
0xd7: {  	vm11 =	vge.f32 v31, v35;
	vm12 =	vge.f32 v32, v33;
	vm0 =	vmneg vm8  }
0xd8: {  	v55 =	vand.u32 v2, v21;
	vm2 =	vmneg vm11;
	v29 =	vsel vm9, v29, v30;
	v30 =	vld.idx.msk [tilespmem:v59+s13+$0x0], $0xffff  }
0xd9: {  	v27 =	vsel vm10, v27, v28;
	v28 =	vsel vm2, v35, v31;
	v31 =	vsel vm12, v32, v33;
	v32 =	vld.idx.msk [tilespmem:v60+s13+$0x0], $0xffff  }
0xda: {  	v58 =	vsel vm9, $0x2, v3;
	v59 =	vsel vm12, $0x4, v4;
	v21 =	vshll.u32 v21, $0x4  }
0xdb: {  	v23 =	vsel vm0, v23, v26;
	v26 =	vsel vm0, $0x1, v7;
	vm13 =	vge.f32 v34, v24  }
0xdc: {  	v49 =	vor.u32 $0x3, v21;
	vm14 =	vge.f32 v28, v29;
	v24 =	vsel vm13, v34, v24  }
0xdd: {  	v51 =	vor.u32 $0x4, v21;
	v28 =	vsel vm14, v28, v29;
	v29 =	vld.idx.msk [tilespmem:v62+s13+$0x0], $0xffff;
	vm15 =	vge.f32 v31, v24  }
0xde: {  	v62 =	vld.idx.msk [tilespmem:v54+s13+$0x0], $0xffff;
	v60 =	vsel vm13, $0x6, v5;
	vm11 =	vge.f32 v30, v32;
	v24 =	vsel vm15, v31, v24  }
0xdf: {  	v34 =	vld.idx.msk [tilespmem:v61+s13+$0x0], $0xffff;
	v31 =	vsel vm2, $0x1, v7;
	v61 =	vsel vm15, v59, v60;
	v59 =	vor.u32 $0x6, v21  }
0xe0: {  	v30 =	vsel vm11, v30, v32;
	v60 =	vor.u32 $0x7, v21;
	vm8 =	vge.f32 v28, v24  }
0xe1: {  	v43 =	vld.idx.msk [tilespmem:v44+s14+$0x0], $0xffff;
	v31 =	vsel vm14, v31, v58;
	v58 =	vor.u32 $0x2, v21;
	v24 =	vsel vm8, v28, v24  }
0xe2: {  	v46 =	vld.idx.msk [tilespmem:v55+s14+$0x0], $0xffff;
	v28 =	vsel vm10, $0x8, v6;
	v31 =	vsel vm8, v31, v61;
	vm9 =	vge.f32 v24, v27  }
0xe3: {  	vm14 =	vge.f32 v23, v30;
	v27 =	vld.idx.msk [tilespmem:v56+s13+$0x0], $0xffff;
	v28 =	vsel vm9, v31, v28;
	v31 =	vor.u32 $0x8, v21  }
0xe4: {  	vm10 =	vge.f32 v62, v63;
	v23 =	vsel vm14, v23, v30;
	v61 =	vsel vm11, $0x2, v3;
	v56 =	vld.idx.msk [tilespmem:v57+s13+$0x0], $0xffff  }
0xe5: {  	v24 =	vor.u32 $0x3, v54;
	v57 =	vld.idx.msk [tilespmem:v52+s13+$0x0], $0xffff;
	v25 =	vadd.s32 v25, v28;
	v28 =	vor.u32 $0x9, v21  }
0xe6: {  	v50 =	vld.idx.msk [tilespmem:v21+s13+$0x0], $0xffff;
	vm0 =	vmneg vm10;
	v52 =	vor.u32 $0x5, v21;
	v21 =	vor.u32 $0x1, v21  }
0xe7: {  	vm12 =	vge.f32 v34, v29;
	v26 =	vsel vm14, v26, v61;
	v35 =	vsel vm0, v63, v62;
	v32 =	vld.idx.msk [tilespmem:v58+s13+$0x0], $0xffff  }
0xe8: {  	v29 =	vsel vm12, v34, v29;
	v25 =	vshll.u32 v25, $0x4;
	vm13 =	vge.f32 v37, v27;
	v31 =	vld.idx.msk [tilespmem:v31+s13+$0x0], $0xffff  }
0xe9: {  	v44 =	vsel vm0, $0x1, v7;
	v25 =	vor.u32 v0, v25;
	v27 =	vsel vm13, v37, v27;
	v37 =	vld.idx.msk [tilespmem:v49+s13+$0x0], $0xffff  }
0xea: {  	s31 =	simm.s32 $0x40;
	v62 =	vsel vm12, $0x4, v4;
	vm7 =	vge.f32 v56, v57;
	v28 =	vld.idx.msk [tilespmem:v28+s13+$0x0], $0xffff;
	vm15 =	vge.f32 v29, v27  }
0xeb: {  	v58 =	vor.u32 s31, v0;
	v54 =	vsel vm7, v56, v57;
	v57 =	vld.idx.msk [tilespmem:v21+s13+$0x0], $0xffff;
	v27 =	vsel vm15, v29, v27  }
0xec: {  	v30 =	vld.idx.msk [tilespmem:v51+s13+$0x0], $0xffff;
	v63 =	vsel vm13, $0x6, v5;
	v56 =	vsel vm7, $0x8, v6;
	vm6 =	vge.f32 v23, v27  }
0xed: {  	v21 =	vmul.u32 $0xA, v43;
	v29 =	vld.idx.msk [tilespmem:v52+s13+$0x0], $0xffff;
	v55 =	vsel vm15, v62, v63;
	v23 =	vsel vm6, v23, v27  }
0xee: {  	s30 =	simm.s32 $0x50;
	[tilespmem:v25+s15+$0x0] =	vst.idx.add.f32.msk $0xffff, v8;
	v25 =	vmul.u32 $0xA, v46;
	v26 =	vsel vm6, v26, v55;
	vm8 =	vge.f32 v23, v54  }
0xef: {  	v33 =	vld.idx.msk [tilespmem:v59+s13+$0x0], $0xffff;
	vm9 =	vge.f32 v32, v37;
	v23 =	vsel vm8, v26, v56;
	v26 =	vor.u32 s30, v0  }
0xf0: {  	v24 =	vld.idx.msk [tilespmem:v24+s13+$0x0], $0xffff;
	vm10 =	vge.f32 v31, v28;
	vm11 =	vge.f32 v50, v57;
	v32 =	vsel vm9, v32, v37  }
0xf1: {  	v46 =	vld.idx.msk [tilespmem:v48+s13+$0x0], $0xffff;
	v56 =	vshll.u32 v58, $0x4;
	v54 =	vand.u32 v9, v26;
	v55 =	vshll.u32 v26, $0x4  }
0xf2: {  	v27 =	vld.idx.msk [tilespmem:v60+s13+$0x0], $0xffff;
	v26 =	vand.u32 v2, v58;
	vm12 =	vge.f32 v30, v29;
	vm2 =	vmneg vm11  }
0xf3: {  	v28 =	vsel vm10, v31, v28;
	v48 =	vadd.s32 v22, v23;
	v34 =	vor.u32 $0x8, v56  }
0xf4: {  	v39 =	vld.idx.msk [tilespmem:v39+s13+$0x0], $0xffff;
	v53 =	vor.u32 $0x5, v56;
	v59 =	vor.u32 $0x1, v55;
	v60 =	vor.u32 $0x2, v55  }
0xf5: {  	v37 =	vld.idx.msk [tilespmem:v36+s13+$0x0], $0xffff;
	v31 =	vsel vm2, v57, v50;
	v29 =	vsel vm12, v30, v29;
	v30 =	vsel vm9, $0x2, v3  }
0xf6: {  	v41 =	vld.idx.msk [tilespmem:v41+s13+$0x0], $0xffff;
	v61 =	vsel vm12, $0x4, v4;
	v49 =	vor.u32 $0x3, v55;
	v57 =	vor.u32 $0x9, v56  }
0xf7: {  	v45 =	vld.idx.msk [tilespmem:v45+s13+$0x0], $0xffff;
	vm8 =	vge.f32 v46, v24;
	vm13 =	vge.f32 v33, v27;
	vm14 =	vge.f32 v31, v32  }
0xf8: {  	v24 =	vsel vm8, v46, v24;
	v27 =	vsel vm13, v33, v27;
	v31 =	vsel vm14, v31, v32;
	v32 =	vld.idx.msk [tilespmem:v42+s13+$0x0], $0xffff  }
0xf9: {  	v62 =	vsel vm13, $0x6, v5;
	v42 =	vld.idx.msk [tilespmem:v47+s13+$0x0], $0xffff;
	vm11 =	vge.f32 v35, v24;
	vm15 =	vge.f32 v29, v27  }
0xfa: {  	vm9 =	vge.f32 v37, v39;
	v35 =	vsel vm11, v35, v24;
	v27 =	vsel vm15, v29, v27;
	v50 =	vld.idx.msk [tilespmem:v54+s14+$0x0], $0xffff  }
0xfb: {  	v29 =	vsel vm2, $0x1, v7;
	v33 =	vld.idx.msk [tilespmem:v26+s14+$0x0], $0xffff;
	v26 =	vor.u32 $0x8, v55;
	v54 =	vor.u32 $0x1, v56  }
0xfc: {  	v63 =	vld.idx.msk [tilespmem:v55+s13+$0x0], $0xffff;
	vm4 =	vge.f32 v31, v27;
	v29 =	vsel vm14, v29, v30;
	v30 =	vsel vm15, v61, v62  }
0xfd: {  	v23 =	vld.idx.msk [tilespmem:v59+s13+$0x0], $0xffff;
	v59 =	vor.u32 $0x2, v56;
	v61 =	vor.u32 $0x4, v56;
	v27 =	vsel vm4, v31, v27  }
0xfe: {  	v34 =	vld.idx.msk [tilespmem:v34+s13+$0x0], $0xffff;
	v31 =	vsel vm10, $0x8, v6;
	v29 =	vsel vm4, v29, v30;
	vm6 =	vge.f32 v27, v28  }
0xff: {  	v36 =	vld.idx.msk [tilespmem:v57+s13+$0x0], $0xffff;
	v62 =	vor.u32 $0x6, v56;
	v57 =	vor.u32 $0x7, v56;
	v22 =	vsel vm6, v29, v31  }
0x100: {  	v40 =	vld.idx.msk [tilespmem:v53+s13+$0x0], $0xffff;
	v28 =	vor.u32 $0x6, v55;
	v27 =	vor.u32 $0x7, v55;
	v25 =	vadd.s32 v25, v22  }
0x101: {  	vm10 =	vge.f32 v41, v32;
	v22 =	vld.idx.msk [tilespmem:v60+s13+$0x0], $0xffff;
	v60 =	vor.u32 $0x3, v56;
	v25 =	vshll.u32 v25, $0x4  }
0x102: {  	v30 =	vld.idx.msk [tilespmem:v56+s13+$0x0], $0xffff;
	vm14 =	vge.f32 v42, v45;
	vm7 =	vge.f32 v63, v23;
	v58 =	vor.u32 v0, v25  }
0x103: {  	v31 =	vor.u32 $0x4, v55;
	v29 =	vor.u32 $0x5, v55;
	v38 =	vld.idx.msk [tilespmem:v61+s13+$0x0], $0xffff;
	vm0 =	vmneg vm7  }
0x104: {  	v32 =	vsel vm10, v41, v32;
	v41 =	vld.idx.msk [tilespmem:v62+s13+$0x0], $0xffff;
	v23 =	vsel vm0, v23, v63;
	v63 =	vsel vm9, v37, v39  }
0x105: {  	v61 =	vsel vm14, v42, v45;
	v42 =	vmul.u32 $0xA, v50;
	v37 =	vld.idx.msk [tilespmem:v59+s13+$0x0], $0xffff;
	vm12 =	vge.f32 v63, v32  }
0x106: {  	v25 =	vor.u32 $0x9, v55;
	v59 =	vsel vm9, $0x4, v4;
	v39 =	vld.idx.msk [tilespmem:v60+s13+$0x0], $0xffff;
	v32 =	vsel vm12, v63, v32  }
0x107: {  	v60 =	vsel vm10, $0x6, v5;
	vm13 =	vge.f32 v35, v32;
	[tilespmem:v58+s15+$0x0] =	vst.idx.add.f32.msk $0xffff, v8;
	v58 =	vsel vm8, $0x2, v3  }
0x108: {  	v43 =	vld.idx.msk [tilespmem:v57+s13+$0x0], $0xffff;
	v62 =	vsel vm12, v59, v60;
	v32 =	vsel vm13, v35, v32;
	v44 =	vsel vm11, v44, v58  }
0x109: {  	v45 =	vld.idx.msk [tilespmem:v54+s13+$0x0], $0xffff;
	v63 =	vsel vm14, $0x8, v6;
	vm15 =	vge.f32 v32, v61;
	v44 =	vsel vm13, v44, v62  }
0x10a: {  	s21 =	simm.s32 $0x70;
	s20 =	simm.s32 $0x4;
	v24 =	vsel vm0, $0x1, v7;
	v32 =	vld.idx.msk [tilespmem:v49+s13+$0x0], $0xffff;
	v46 =	vsel vm15, v44, v63;
	v44 =	vshll.u32 v48, $0x4  }
.LBB2_7:
0x10b: {  	s22 =	sadd.s32 $0xFFFFFFF0, s21;
	v47 =	vor.u32 s21, v0;
	v48 =	vld.idx.msk [tilespmem:v31+s13+$0x0], $0xffff;
	v35 =	vadd.s32 v21, v46;
	v31 =	vor.u32 v0, v44;
	v21 =	vmovc v42  }
0x10c: {  	v42 =	vor.u32 s22, v0;
	v44 =	vand.u32 v9, v47;
	v46 =	vshll.u32 v47, $0x4;
	v47 =	vld.idx.msk [tilespmem:v29+s13+$0x0], $0xffff  }
0x10d: {  	v49 =	vand.u32 v2, v42;
	v29 =	vor.u32 $0x1, v46;
	v50 =	vor.u32 $0x2, v46;
	v51 =	vld.idx.msk [tilespmem:v28+s13+$0x0], $0xffff  }
0x10e: {  	vm1 =	vge.f32 v37, v39;
	vm0 =	vge.f32 v34, v36;
	v28 =	vmul.u32 $0xA, v33;
	v52 =	vld.idx.msk [tilespmem:v27+s13+$0x0], $0xffff  }
0x10f: {  	vm3 =	vge.f32 v38, v40;
	vm4 =	vge.f32 v41, v43;
	vm2 =	vge.f32 v30, v45;
	v53 =	vld.idx.msk [tilespmem:v26+s13+$0x0], $0xffff  }
0x110: {  	v27 =	vsel vm0, v34, v36;
	vm2 =	vmneg vm2;
	v26 =	vsel vm1, v37, v39;
	v54 =	vld.idx.msk [tilespmem:v25+s13+$0x0], $0xffff  }
0x111: {  	v33 =	vsel vm4, v41, v43;
	v25 =	vsel vm2, v45, v30;
	v30 =	vsel vm3, v38, v40;
	v37 =	vld.idx.msk [tilespmem:v46+s13+$0x0], $0xffff  }
0x112: {  	vm5 =	vge.f32 v30, v33;
	v38 =	vld.idx.msk [tilespmem:v29+s13+$0x0], $0xffff;
	v29 =	vsel vm1, $0x2, v3;
	vm1 =	vge.f32 v25, v26  }
0x113: {  	v34 =	vsel vm3, $0x4, v4;
	v39 =	vld.idx.msk [tilespmem:v50+s13+$0x0], $0xffff;
	v25 =	vsel vm1, v25, v26;
	v26 =	vsel vm5, v30, v33  }
0x114: {  	v30 =	vsel vm2, $0x1, v7;
	v33 =	vsel vm4, $0x6, v5;
	v44 =	vld.idx.msk [tilespmem:v44+s14+$0x0], $0xffff;
	vm2 =	vge.f32 v25, v26  }
0x115: {  	v29 =	vsel vm1, v30, v29;
	v30 =	vsel vm5, v34, v33;
	v25 =	vsel vm2, v25, v26  }
0x116: {  	v26 =	vsel vm0, $0x8, v6;
	v29 =	vsel vm2, v29, v30;
	vm0 =	vge.f32 v25, v27;
	[tilespmem:v31+s15+$0x0] =	vst.idx.add.f32.msk $0xffff, v8  }
0x117: {  	v40 =	vshll.u32 v42, $0x4;
	v50 =	vor.u32 $0x3, v46;
	v25 =	vsel vm0, v29, v26  }
0x118: {  	v34 =	vor.u32 $0x8, v40;
	v31 =	vor.u32 $0x4, v46;
	v25 =	vadd.s32 v28, v25  }
0x119: {  	v36 =	vor.u32 $0x9, v40;
	v29 =	vor.u32 $0x5, v46;
	v25 =	vshll.u32 v25, $0x4  }
0x11a: {  	v27 =	vor.u32 $0x7, v46;
	v28 =	vor.u32 $0x6, v46;
	v41 =	vor.u32 v0, v25  }
0x11b: {  	v42 =	vor.u32 $0x2, v40;
	v26 =	vor.u32 $0x8, v46;
	v25 =	vor.u32 $0x9, v46;
	v33 =	vld.idx.msk [tilespmem:v49+s14+$0x0], $0xffff  }
0x11c: {  	v43 =	vor.u32 $0x3, v40;
	vm1 =	vge.f32 v37, v38;
	vm0 =	vge.f32 v22, v32;
	v30 =	vld.idx.msk [tilespmem:v40+s13+$0x0], $0xffff  }
0x11d: {  	v45 =	vor.u32 $0x4, v40;
	vm2 =	vge.f32 v48, v47;
	vm1 =	vmneg vm1;
	v34 =	vld.idx.msk [tilespmem:v34+s13+$0x0], $0xffff  }
0x11e: {  	s20 =	sadd.s32 $0x2, s20;
	vm3 =	vge.f32 v51, v52;
	v38 =	vsel vm1, v38, v37;
	v46 =	vor.u32 $0x5, v40;
	v36 =	vld.idx.msk [tilespmem:v36+s13+$0x0], $0xffff  }
0x11f: {  	p0 =	slt.u32 s20, $0x3C;
	v32 =	vsel vm0, v22, v32;
	v49 =	vor.u32 $0x6, v40;
	[tilespmem:v41+s15+$0x0] =	vst.idx.add.f32.msk $0xffff, v8;
	v41 =	vsel vm2, v48, v47  }
0x120: {  	v22 =	vmovc v39;
	vm4 =	vge.f32 v23, v32;
	v47 =	vsel vm3, v51, v52;
	v37 =	vld.idx.msk [tilespmem:v42+s13+$0x0], $0xffff;
	v42 =	vor.u32 $0x7, v40  }
0x121: {  	v32 =	vsel vm4, v23, v32;
	v23 =	vmovc v38;
	v48 =	vor.u32 $0x1, v40;
	vm5 =	vge.f32 v41, v47;
	v39 =	vld.idx.msk [tilespmem:v43+s13+$0x0], $0xffff  }
0x122: {  	v43 =	vsel vm0, $0x2, v3;
	v47 =	vsel vm5, v41, v47;
	v38 =	vld.idx.msk [tilespmem:v45+s13+$0x0], $0xffff;
	v45 =	vsel vm1, $0x1, v7  }
.Ltmp2:
0x123: {  	v51 =	vsel vm3, $0x6, v5;
	vm0 =	vge.f32 v32, v47;
	v40 =	vld.idx.msk [tilespmem:v46+s13+$0x0], $0xffff;
	v46 =	vsel vm2, $0x4, v4;
	(pc) =	sbr.rel @p0 .LBB2_7-.Ltmp2, $4  }
0x124: {  	vm1 =	vge.f32 v53, v54;
	v32 =	vsel vm0, v32, v47;
	v41 =	vld.idx.msk [tilespmem:v49+s13+$0x0], $0xffff;
	v49 =	vsel vm4, v24, v43  }
0x125: {  	v47 =	vsel vm1, v53, v54;
	v52 =	vsel vm1, $0x8, v6;
	v46 =	vsel vm5, v46, v51;
	v24 =	vmovc v45;
	v43 =	vld.idx.msk [tilespmem:v42+s13+$0x0], $0xffff  }
0x126: {  	v42 =	vmul.u32 $0xA, v44;
	v44 =	vsel vm0, v49, v46;
	vm0 =	vge.f32 v32, v47;
	v45 =	vld.idx.msk [tilespmem:v48+s13+$0x0], $0xffff  }
0x127: {  	s21 =	sadd.s32 $0x20, s21;
	v46 =	vsel vm0, v44, v52;
	v44 =	vshll.u32 v35, $0x4;
	v32 =	vld.idx.msk [tilespmem:v50+s13+$0x0], $0xffff  }
0x128: {  	_ =	sdelay $0x3  }
0x129: {  	v31 =	vld.idx.msk [tilespmem:v31+s13+$0x0], $0xffff  }
0x12a: {  	vm0 =	vge.f32 v37, v39;
	v29 =	vld.idx.msk [tilespmem:v29+s13+$0x0], $0xffff  }
0x12b: {  	vm1 =	vge.f32 v34, v36;
	v33 =	vmul.u32 $0xA, v33;
	vm3 =	vge.f32 v38, v40;
	v28 =	vld.idx.msk [tilespmem:v28+s13+$0x0], $0xffff  }
0x12c: {  	v27 =	vld.idx.msk [tilespmem:v27+s13+$0x0], $0xffff;
	v21 =	vadd.s32 v21, v46;
	v35 =	vsel vm0, v37, v39;
	v34 =	vsel vm1, v34, v36  }
0x12d: {  	v26 =	vld.idx.msk [tilespmem:v26+s13+$0x0], $0xffff;
	v59 =	vsel vm3, v38, v40;
	v61 =	vsel vm0, $0x2, v3;
	v62 =	vsel vm3, $0x4, v4  }
0x12e: {  	v25 =	vld.idx.msk [tilespmem:v25+s13+$0x0], $0xffff;
	v21 =	vshll.u32 v21, $0x4;
	vm4 =	vge.f32 v41, v43;
	vm2 =	vge.f32 v30, v45  }
0x12f: {  	v60 =	vsel vm4, v41, v43;
	v41 =	vsel vm4, $0x6, v5;
	v43 =	vsel vm1, $0x8, v6  }
0x130: {  	vm2 =	vmneg vm2;
	vm5 =	vge.f32 v59, v60;
	vm10 =	vge.f32 v22, v32  }
0x131: {  	v58 =	vsel vm2, v45, v30;
	v63 =	vsel vm5, v59, v60;
	v40 =	vsel vm2, $0x1, v7  }
0x132: {  	v37 =	vsel vm5, v62, v41;
	vm11 =	vge.f32 v31, v29;
	vm12 =	vge.f32 v28, v27  }
0x133: {  	v22 =	vsel vm10, v22, v32;
	vm5 =	vge.f32 v26, v25;
	vm15 =	vge.f32 v58, v35  }
0x134: {  	v29 =	vsel vm11, v31, v29;
	v27 =	vsel vm12, v28, v27;
	vm13 =	vge.f32 v23, v22  }
0x135: {  	v45 =	vsel vm11, $0x4, v4;
	v46 =	vsel vm12, $0x6, v5;
	v47 =	vsel vm5, v26, v25  }
0x136: {  	v49 =	vsel vm5, $0x8, v6;
	v30 =	vsel vm15, v58, v35;
	v36 =	vsel vm15, v40, v61  }
0x137: {  	v22 =	vsel vm13, v23, v22;
	vm14 =	vge.f32 v29, v27;
	v23 =	vsel vm10, $0x2, v3  }
0x138: {  	vm8 =	vge.f32 v30, v63;
	v27 =	vsel vm14, v29, v27;
	v23 =	vsel vm13, v24, v23  }
0x139: {  	v48 =	vsel vm14, v45, v46;
	v30 =	vsel vm8, v30, v63;
	vm15 =	vge.f32 v22, v27  }
0x13a: {  	v36 =	vsel vm8, v36, v37;
	vm9 =	vge.f32 v30, v34;
	v22 =	vsel vm15, v22, v27  }
0x13b: {  	v23 =	vsel vm15, v23, v48;
	v30 =	vsel vm9, v36, v43;
	vm6 =	vge.f32 v22, v47  }
0x13c: {  	v21 =	vor.u32 v0, v21;
	v30 =	vadd.s32 v33, v30;
	v23 =	vsel vm6, v23, v49  }
0x13d: {  	v22 =	vor.u32 v0, v44;
	v50 =	vshll.u32 v30, $0x4;
	v23 =	vadd.s32 v42, v23  }
0x13e: {  	v24 =	vor.u32 v0, v50;
	v23 =	vshll.u32 v23, $0x4  }
0x13f: {  	v23 =	vor.u32 v0, v23;
	_ =	sdelay $0x1  }
0x140: {  	[tilespmem:v21+s15+$0x0] =	vst.idx.add.f32.msk $0xffff, v8  }
0x141: {  	[tilespmem:v22+s15+$0x0] =	vst.idx.add.f32.msk $0xffff, v8  }
0x142: {  	[tilespmem:v24+s15+$0x0] =	vst.idx.add.f32.msk $0xffff, v8  }
0x143: {  	[tilespmem:v23+s15+$0x0] =	vst.idx.add.f32.msk $0xffff, v8  }
0x144: {  	v21 =	vld.idx.msk [tilespmem:v11+s13+$0x0], $0xff  }
0x145: {  	v22 =	vld.idx.msk [tilespmem:v12+s13+$0x0], $0xff  }
0x146: {  	v23 =	vld.idx.msk [tilespmem:v13+s13+$0x0], $0xff  }
0x147: {  	v24 =	vld.idx.msk [tilespmem:v14+s13+$0x0], $0xff  }
0x148: {  	v51 =	vld.idx.msk [tilespmem:v15+s13+$0x0], $0xff  }
0x149: {  	v52 =	vld.idx.msk [tilespmem:v16+s13+$0x0], $0xff  }
0x14a: {  	v53 =	vld.idx.msk [tilespmem:v17+s13+$0x0], $0xff  }
0x14b: {  	v54 =	vld.idx.msk [tilespmem:v18+s13+$0x0], $0xff  }
0x14c: {  	v55 =	vld.idx.msk [tilespmem:v19+s13+$0x0], $0xff  }
0x14d: {  	v56 =	vld.idx.msk [tilespmem:v20+s13+$0x0], $0xff;
	_ =	sdelay $0x3  }
0x14e: {  	vm7 =	vge.f32 v21, v22;
	vm8 =	vge.f32 v23, v24;
	vm9 =	vge.f32 v51, v52  }
0x14f: {  	vm10 =	vge.f32 v53, v54;
	vm13 =	vge.f32 v55, v56;
	vm0 =	vmneg vm7  }
0x150: {  	v23 =	vsel vm8, v23, v24;
	v57 =	vsel vm8, $0x2, v3;
	v25 =	vsel vm9, v51, v52  }
0x151: {  	v58 =	vld.idx.msk [tilespmem:v10+s14+$0x0], $0xff;
	v59 =	vsel vm9, $0x4, v4;
	v27 =	vsel vm10, v53, v54;
	v21 =	vsel vm0, v22, v21  }
0x152: {  	v60 =	vsel vm10, $0x6, v5;
	vm12 =	vge.f32 v25, v27;
	vm11 =	vge.f32 v21, v23  }
0x153: {  	v61 =	vsel vm13, v55, v56;
	v21 =	vsel vm11, v21, v23;
	v23 =	vsel vm12, v25, v27  }
0x154: {  	v62 =	vsel vm13, $0x8, v6;
	v22 =	vsel vm0, $0x1, v7;
	vm14 =	vge.f32 v21, v23  }
0x155: {  	v63 =	vsel vm12, v59, v60;
	v22 =	vsel vm11, v22, v57;
	v21 =	vsel vm14, v21, v23  }
0x156: {  	v22 =	vsel vm14, v22, v63;
	vm15 =	vge.f32 v21, v61;
	v21 =	vmul.u32 $0xA, v58  }
0x157: {  	v22 =	vsel vm15, v22, v62  }
0x158: {  	v21 =	vadd.s32 v21, v22  }
0x159: {  	s19 =	sadd.s32 $0x1, s19;
	v21 =	vshll.u32 v21, $0x4  }
0x15a: {  	p0 =	sne.s32 s19, $0x3E;
	v21 =	vor.u32 v0, v21  }
.Ltmp3:
0x15b: {  	_ = 	snop;
	(pc) =	sbr.rel @p0 .LBB2_4-.Ltmp3, $2  }
0x15c: {  	_ =	sdelay $0x2  }
0x15d: {  	[tilespmem:v21+s15+$0x0] =	vst.idx.add.f32.msk $0xff, v8  }
0x15e: {  	s19 =	simm.s32 $0x10  }
0x15f: {  	_ =	swait.ge [sflag:s12], $0x3E80;
	v21 =	vor.u32 s19, v0  }
0x160: {  	s28 =	simm.s32 $0x0;
	[sflag:s12] =	ssyncset.done $0x0;
	v22 =	vshll.u32 v21, $0x4  }
0x161: {  	v24 =	vor.u32 s28, v0;
	[sflag:s12] =	ssyncadd.s32 $0xFFFFC180;
	v21 =	vand.u32 v9, v21  }
0x162: {  	s29 =	simm.s32 $0x30;
	v25 =	vand.u32 v2, v24;
	_ =	swait.ge [sflag:s12], $0x3E8  }
0x163: {  	v44 =	vor.u32 s29, v0;
	v24 =	vshll.u32 v24, $0x4;
	[sflag:s12] =	ssyncset.done $0x0  }
0x164: {  	v45 =	vshll.u32 v44, $0x4;
	[sflag:s12] =	ssyncadd.s32 $0xFFFFFC18  }
0x165: {  	v23 =	vor.u32 $0x1, v22;
	v26 =	vld.idx.msk [tilespmem:v22+s3+$0x0], $0xffff  }
0x166: {  	v27 =	vor.u32 $0x8, v24;
	v21 =	vld.idx.msk [tilespmem:v21+s11+$0x0], $0xffff  }
0x167: {  	v28 =	vor.u32 $0x9, v24;
	v25 =	vld.idx.msk [tilespmem:v25+s11+$0x0], $0xffff  }
0x168: {  	v29 =	vor.u32 $0x2, v24;
	v31 =	vld.idx.msk [tilespmem:v24+s3+$0x0], $0xffff  }
0x169: {  	v30 =	vor.u32 $0x3, v24;
	v62 =	vld.idx.msk [tilespmem:v45+s3+$0x0], $0xffff  }
0x16a: {  	v32 =	vor.u32 $0x4, v24;
	v23 =	vld.idx.msk [tilespmem:v23+s3+$0x0], $0xffff  }
0x16b: {  	v33 =	vor.u32 $0x5, v24;
	v27 =	vld.idx.msk [tilespmem:v27+s3+$0x0], $0xffff  }
0x16c: {  	v35 =	vor.u32 $0x1, v24;
	v28 =	vld.idx.msk [tilespmem:v28+s3+$0x0], $0xffff  }
0x16d: {  	v47 =	vor.u32 $0x1, v45;
	v29 =	vld.idx.msk [tilespmem:v29+s3+$0x0], $0xffff  }
0x16e: {  	v42 =	vor.u32 $0x8, v22;
	v30 =	vld.idx.msk [tilespmem:v30+s3+$0x0], $0xffff  }
0x16f: {  	v43 =	vor.u32 $0x9, v22;
	v32 =	vld.idx.msk [tilespmem:v32+s3+$0x0], $0xffff  }
0x170: {  	v33 =	vld.idx.msk [tilespmem:v33+s3+$0x0], $0xffff  }
0x171: {  	v44 =	vand.u32 v9, v44;
	v35 =	vld.idx.msk [tilespmem:v35+s3+$0x0], $0xffff  }
0x172: {  	v34 =	vor.u32 $0x6, v24;
	v36 =	vor.u32 $0x2, v22;
	v37 =	vor.u32 $0x3, v22;
	v63 =	vld.idx.msk [tilespmem:v47+s3+$0x0], $0xffff  }
0x173: {  	v38 =	vor.u32 $0x4, v22;
	v39 =	vor.u32 $0x5, v22;
	v40 =	vor.u32 $0x6, v22;
	v56 =	vld.idx.msk [tilespmem:v42+s3+$0x0], $0xffff  }
0x174: {  	v41 =	vor.u32 $0x7, v22;
	v48 =	vor.u32 $0x2, v45;
	v24 =	vor.u32 $0x7, v24;
	v57 =	vld.idx.msk [tilespmem:v43+s3+$0x0], $0xffff  }
0x175: {  	s20 =	simm.s32 $0x20;
	v42 =	vor.u32 $0x7, v45;
	v47 =	vor.u32 $0x8, v45;
	v22 =	vmul.u32 $0xA, v21  }
0x176: {  	v21 =	vor.u32 s20, v0;
	v25 =	vmul.u32 $0xA, v25;
	vm0 =	vge.f32 v26, v23  }
0x177: {  	v46 =	vand.u32 v2, v21;
	vm14 =	vge.f32 v29, v30;
	vm1 =	vge.f32 v27, v28  }
0x178: {  	v34 =	vld.idx.msk [tilespmem:v34+s3+$0x0], $0xffff;
	vm2 =	vge.f32 v31, v35;
	vm3 =	vge.f32 v32, v33;
	v21 =	vshll.u32 v21, $0x4  }
0x179: {  	v24 =	vld.idx.msk [tilespmem:v24+s3+$0x0], $0xffff;
	vm10 =	vge.f32 v62, v63;
	vm7 =	vge.f32 v56, v57;
	vm0 =	vmneg vm0  }
0x17a: {  	vm2 =	vmneg vm2;
	v29 =	vsel vm14, v29, v30;
	v27 =	vsel vm1, v27, v28  }
0x17b: {  	v30 =	vld.idx.msk [tilespmem:v36+s3+$0x0], $0xffff;
	v58 =	vsel vm14, $0x2, v3;
	v59 =	vsel vm3, $0x4, v4;
	v36 =	vor.u32 $0x4, v45  }
0x17c: {  	v49 =	vor.u32 $0x3, v21;
	v51 =	vor.u32 $0x4, v21;
	v52 =	vor.u32 $0x5, v21  }
0x17d: {  	v54 =	vsel vm7, v56, v57;
	v56 =	vsel vm7, $0x8, v6;
	v23 =	vsel vm0, v23, v26  }
0x17e: {  	v26 =	vsel vm0, $0x1, v7;
	v28 =	vsel vm2, v35, v31;
	vm4 =	vge.f32 v34, v24  }
0x17f: {  	v31 =	vsel vm3, v32, v33;
	vm0 =	vmneg vm10;
	v24 =	vsel vm4, v34, v24  }
0x180: {  	v43 =	vld.idx.msk [tilespmem:v44+s11+$0x0], $0xffff;
	vm15 =	vge.f32 v28, v29;
	v35 =	vsel vm0, v63, v62;
	vm5 =	vge.f32 v31, v24  }
0x181: {  	v32 =	vld.idx.msk [tilespmem:v37+s3+$0x0], $0xffff;
	v28 =	vsel vm15, v28, v29;
	v60 =	vsel vm4, $0x6, v5;
	v24 =	vsel vm5, v31, v24  }
0x182: {  	v37 =	vld.idx.msk [tilespmem:v40+s3+$0x0], $0xffff;
	v31 =	vsel vm2, $0x1, v7;
	v61 =	vsel vm5, v59, v60;
	vm8 =	vge.f32 v28, v24  }
0x183: {  	v29 =	vld.idx.msk [tilespmem:v39+s3+$0x0], $0xffff;
	v31 =	vsel vm15, v31, v58;
	v58 =	vor.u32 $0x2, v21;
	v24 =	vsel vm8, v28, v24  }
0x184: {  	v34 =	vld.idx.msk [tilespmem:v38+s3+$0x0], $0xffff;
	v28 =	vsel vm1, $0x8, v6;
	v31 =	vsel vm8, v31, v61;
	vm9 =	vge.f32 v24, v27  }
0x185: {  	v44 =	vsel vm0, $0x1, v7;
	v27 =	vld.idx.msk [tilespmem:v41+s3+$0x0], $0xffff;
	v28 =	vsel vm9, v31, v28;
	v31 =	vor.u32 $0x8, v21  }
0x186: {  	v39 =	vor.u32 $0x5, v45;
	vm11 =	vge.f32 v30, v32;
	v59 =	vor.u32 $0x6, v21  }
0x187: {  	v46 =	vld.idx.msk [tilespmem:v46+s11+$0x0], $0xffff;
	v30 =	vsel vm11, v30, v32;
	v25 =	vadd.s32 v25, v28;
	v28 =	vor.u32 $0x9, v21  }
0x188: {  	v50 =	vld.idx.msk [tilespmem:v21+s3+$0x0], $0xffff;
	v60 =	vor.u32 $0x7, v21;
	vm14 =	vge.f32 v23, v30;
	v21 =	vor.u32 $0x1, v21  }
0x189: {  	v61 =	vsel vm11, $0x2, v3;
	v24 =	vor.u32 $0x3, v45;
	v41 =	vor.u32 $0x6, v45;
	v32 =	vld.idx.msk [tilespmem:v58+s3+$0x0], $0xffff  }
0x18a: {  	vm12 =	vge.f32 v34, v29;
	v25 =	vshll.u32 v25, $0x4;
	vm13 =	vge.f32 v37, v27;
	v31 =	vld.idx.msk [tilespmem:v31+s3+$0x0], $0xffff  }
0x18b: {  	v29 =	vsel vm12, v34, v29;
	v25 =	vor.u32 v0, v25;
	v27 =	vsel vm13, v37, v27;
	v37 =	vld.idx.msk [tilespmem:v49+s3+$0x0], $0xffff  }
0x18c: {  	v45 =	vor.u32 $0x9, v45;
	v23 =	vsel vm14, v23, v30;
	v28 =	vld.idx.msk [tilespmem:v28+s3+$0x0], $0xffff;
	vm15 =	vge.f32 v29, v27  }
0x18d: {  	s31 =	simm.s32 $0x40;
	v26 =	vsel vm14, v26, v61;
	v62 =	vsel vm12, $0x4, v4;
	v57 =	vld.idx.msk [tilespmem:v21+s3+$0x0], $0xffff;
	v27 =	vsel vm15, v29, v27  }
0x18e: {  	v30 =	vld.idx.msk [tilespmem:v51+s3+$0x0], $0xffff;
	v58 =	vor.u32 s31, v0;
	v63 =	vsel vm13, $0x6, v5;
	vm6 =	vge.f32 v23, v27  }
0x18f: {  	v21 =	vmul.u32 $0xA, v43;
	v29 =	vld.idx.msk [tilespmem:v52+s3+$0x0], $0xffff;
	v55 =	vsel vm15, v62, v63;
	v23 =	vsel vm6, v23, v27  }
0x190: {  	s30 =	simm.s32 $0x50;
	[tilespmem:v25+s15+$0x0] =	vst.idx.add.f32.msk $0xffff, v8;
	v25 =	vmul.u32 $0xA, v46;
	v26 =	vsel vm6, v26, v55;
	vm8 =	vge.f32 v23, v54  }
0x191: {  	v33 =	vld.idx.msk [tilespmem:v59+s3+$0x0], $0xffff;
	vm9 =	vge.f32 v32, v37;
	v23 =	vsel vm8, v26, v56;
	v26 =	vor.u32 s30, v0  }
0x192: {  	v24 =	vld.idx.msk [tilespmem:v24+s3+$0x0], $0xffff;
	vm10 =	vge.f32 v31, v28;
	vm11 =	vge.f32 v50, v57;
	v32 =	vsel vm9, v32, v37  }
0x193: {  	v46 =	vld.idx.msk [tilespmem:v48+s3+$0x0], $0xffff;
	v56 =	vshll.u32 v58, $0x4;
	v54 =	vand.u32 v9, v26;
	v55 =	vshll.u32 v26, $0x4  }
0x194: {  	v27 =	vld.idx.msk [tilespmem:v60+s3+$0x0], $0xffff;
	v26 =	vand.u32 v2, v58;
	vm12 =	vge.f32 v30, v29;
	vm2 =	vmneg vm11  }
0x195: {  	v28 =	vsel vm10, v31, v28;
	v48 =	vadd.s32 v22, v23;
	v34 =	vor.u32 $0x8, v56  }
0x196: {  	v39 =	vld.idx.msk [tilespmem:v39+s3+$0x0], $0xffff;
	v53 =	vor.u32 $0x5, v56;
	v59 =	vor.u32 $0x1, v55;
	v60 =	vor.u32 $0x2, v55  }
0x197: {  	v37 =	vld.idx.msk [tilespmem:v36+s3+$0x0], $0xffff;
	v31 =	vsel vm2, v57, v50;
	v29 =	vsel vm12, v30, v29;
	v30 =	vsel vm9, $0x2, v3  }
0x198: {  	v41 =	vld.idx.msk [tilespmem:v41+s3+$0x0], $0xffff;
	v61 =	vsel vm12, $0x4, v4;
	v49 =	vor.u32 $0x3, v55;
	v57 =	vor.u32 $0x9, v56  }
0x199: {  	v45 =	vld.idx.msk [tilespmem:v45+s3+$0x0], $0xffff;
	vm8 =	vge.f32 v46, v24;
	vm13 =	vge.f32 v33, v27;
	vm14 =	vge.f32 v31, v32  }
0x19a: {  	v24 =	vsel vm8, v46, v24;
	v27 =	vsel vm13, v33, v27;
	v31 =	vsel vm14, v31, v32;
	v32 =	vld.idx.msk [tilespmem:v42+s3+$0x0], $0xffff  }
0x19b: {  	v62 =	vsel vm13, $0x6, v5;
	v42 =	vld.idx.msk [tilespmem:v47+s3+$0x0], $0xffff;
	vm11 =	vge.f32 v35, v24;
	vm15 =	vge.f32 v29, v27  }
0x19c: {  	vm9 =	vge.f32 v37, v39;
	v35 =	vsel vm11, v35, v24;
	v27 =	vsel vm15, v29, v27;
	v50 =	vld.idx.msk [tilespmem:v54+s11+$0x0], $0xffff  }
0x19d: {  	v29 =	vsel vm2, $0x1, v7;
	v33 =	vld.idx.msk [tilespmem:v26+s11+$0x0], $0xffff;
	v26 =	vor.u32 $0x8, v55;
	v54 =	vor.u32 $0x1, v56  }
0x19e: {  	v63 =	vld.idx.msk [tilespmem:v55+s3+$0x0], $0xffff;
	vm4 =	vge.f32 v31, v27;
	v29 =	vsel vm14, v29, v30;
	v30 =	vsel vm15, v61, v62  }
0x19f: {  	v23 =	vld.idx.msk [tilespmem:v59+s3+$0x0], $0xffff;
	v59 =	vor.u32 $0x2, v56;
	v61 =	vor.u32 $0x4, v56;
	v27 =	vsel vm4, v31, v27  }
0x1a0: {  	v34 =	vld.idx.msk [tilespmem:v34+s3+$0x0], $0xffff;
	v31 =	vsel vm10, $0x8, v6;
	v29 =	vsel vm4, v29, v30;
	vm6 =	vge.f32 v27, v28  }
0x1a1: {  	v36 =	vld.idx.msk [tilespmem:v57+s3+$0x0], $0xffff;
	v62 =	vor.u32 $0x6, v56;
	v57 =	vor.u32 $0x7, v56;
	v22 =	vsel vm6, v29, v31  }
0x1a2: {  	v40 =	vld.idx.msk [tilespmem:v53+s3+$0x0], $0xffff;
	v28 =	vor.u32 $0x6, v55;
	v27 =	vor.u32 $0x7, v55;
	v25 =	vadd.s32 v25, v22  }
0x1a3: {  	vm10 =	vge.f32 v41, v32;
	v22 =	vld.idx.msk [tilespmem:v60+s3+$0x0], $0xffff;
	v60 =	vor.u32 $0x3, v56;
	v25 =	vshll.u32 v25, $0x4  }
0x1a4: {  	v30 =	vld.idx.msk [tilespmem:v56+s3+$0x0], $0xffff;
	vm14 =	vge.f32 v42, v45;
	vm7 =	vge.f32 v63, v23;
	v58 =	vor.u32 v0, v25  }
0x1a5: {  	v31 =	vor.u32 $0x4, v55;
	v29 =	vor.u32 $0x5, v55;
	v38 =	vld.idx.msk [tilespmem:v61+s3+$0x0], $0xffff;
	vm0 =	vmneg vm7  }
0x1a6: {  	v32 =	vsel vm10, v41, v32;
	v41 =	vld.idx.msk [tilespmem:v62+s3+$0x0], $0xffff;
	v23 =	vsel vm0, v23, v63;
	v63 =	vsel vm9, v37, v39  }
0x1a7: {  	v61 =	vsel vm14, v42, v45;
	v42 =	vmul.u32 $0xA, v50;
	v37 =	vld.idx.msk [tilespmem:v59+s3+$0x0], $0xffff;
	vm12 =	vge.f32 v63, v32  }
0x1a8: {  	v25 =	vor.u32 $0x9, v55;
	v59 =	vsel vm9, $0x4, v4;
	v39 =	vld.idx.msk [tilespmem:v60+s3+$0x0], $0xffff;
	v32 =	vsel vm12, v63, v32  }
0x1a9: {  	v60 =	vsel vm10, $0x6, v5;
	vm13 =	vge.f32 v35, v32;
	[tilespmem:v58+s15+$0x0] =	vst.idx.add.f32.msk $0xffff, v8;
	v58 =	vsel vm8, $0x2, v3  }
0x1aa: {  	v43 =	vld.idx.msk [tilespmem:v57+s3+$0x0], $0xffff;
	v62 =	vsel vm12, v59, v60;
	v32 =	vsel vm13, v35, v32;
	v44 =	vsel vm11, v44, v58  }
0x1ab: {  	v45 =	vld.idx.msk [tilespmem:v54+s3+$0x0], $0xffff;
	v63 =	vsel vm14, $0x8, v6;
	vm15 =	vge.f32 v32, v61;
	v44 =	vsel vm13, v44, v62  }
0x1ac: {  	s19 =	simm.s32 $0x4;
	s20 =	simm.s32 $0x70;
	v24 =	vsel vm0, $0x1, v7;
	v32 =	vld.idx.msk [tilespmem:v49+s3+$0x0], $0xffff;
	v46 =	vsel vm15, v44, v63;
	v44 =	vshll.u32 v48, $0x4  }
.LBB2_10:
0x1ad: {  	s21 =	sadd.s32 $0xFFFFFFF0, s20;
	v47 =	vor.u32 s20, v0;
	v48 =	vld.idx.msk [tilespmem:v31+s3+$0x0], $0xffff;
	v35 =	vadd.s32 v21, v46;
	v31 =	vor.u32 v0, v44;
	v21 =	vmovc v42  }
0x1ae: {  	v42 =	vor.u32 s21, v0;
	v44 =	vand.u32 v9, v47;
	v46 =	vshll.u32 v47, $0x4;
	v47 =	vld.idx.msk [tilespmem:v29+s3+$0x0], $0xffff  }
0x1af: {  	v49 =	vand.u32 v2, v42;
	v29 =	vor.u32 $0x1, v46;
	v50 =	vor.u32 $0x2, v46;
	v51 =	vld.idx.msk [tilespmem:v28+s3+$0x0], $0xffff  }
0x1b0: {  	vm1 =	vge.f32 v37, v39;
	vm0 =	vge.f32 v34, v36;
	v28 =	vmul.u32 $0xA, v33;
	v52 =	vld.idx.msk [tilespmem:v27+s3+$0x0], $0xffff  }
0x1b1: {  	vm3 =	vge.f32 v38, v40;
	vm4 =	vge.f32 v41, v43;
	vm2 =	vge.f32 v30, v45;
	v53 =	vld.idx.msk [tilespmem:v26+s3+$0x0], $0xffff  }
0x1b2: {  	v27 =	vsel vm0, v34, v36;
	vm2 =	vmneg vm2;
	v26 =	vsel vm1, v37, v39;
	v54 =	vld.idx.msk [tilespmem:v25+s3+$0x0], $0xffff  }
0x1b3: {  	v33 =	vsel vm4, v41, v43;
	v25 =	vsel vm2, v45, v30;
	v30 =	vsel vm3, v38, v40;
	v37 =	vld.idx.msk [tilespmem:v46+s3+$0x0], $0xffff  }
0x1b4: {  	vm5 =	vge.f32 v30, v33;
	v38 =	vld.idx.msk [tilespmem:v29+s3+$0x0], $0xffff;
	v29 =	vsel vm1, $0x2, v3;
	vm1 =	vge.f32 v25, v26  }
0x1b5: {  	v34 =	vsel vm3, $0x4, v4;
	v39 =	vld.idx.msk [tilespmem:v50+s3+$0x0], $0xffff;
	v25 =	vsel vm1, v25, v26;
	v26 =	vsel vm5, v30, v33  }
0x1b6: {  	v30 =	vsel vm2, $0x1, v7;
	v33 =	vsel vm4, $0x6, v5;
	v44 =	vld.idx.msk [tilespmem:v44+s11+$0x0], $0xffff;
	vm2 =	vge.f32 v25, v26  }
0x1b7: {  	v29 =	vsel vm1, v30, v29;
	v30 =	vsel vm5, v34, v33;
	v25 =	vsel vm2, v25, v26  }
0x1b8: {  	v26 =	vsel vm0, $0x8, v6;
	v29 =	vsel vm2, v29, v30;
	vm0 =	vge.f32 v25, v27;
	[tilespmem:v31+s15+$0x0] =	vst.idx.add.f32.msk $0xffff, v8  }
0x1b9: {  	v40 =	vshll.u32 v42, $0x4;
	v50 =	vor.u32 $0x3, v46;
	v25 =	vsel vm0, v29, v26  }
0x1ba: {  	v34 =	vor.u32 $0x8, v40;
	v31 =	vor.u32 $0x4, v46;
	v25 =	vadd.s32 v28, v25  }
0x1bb: {  	v36 =	vor.u32 $0x9, v40;
	v29 =	vor.u32 $0x5, v46;
	v25 =	vshll.u32 v25, $0x4  }
0x1bc: {  	v27 =	vor.u32 $0x7, v46;
	v28 =	vor.u32 $0x6, v46;
	v41 =	vor.u32 v0, v25  }
0x1bd: {  	v42 =	vor.u32 $0x2, v40;
	v26 =	vor.u32 $0x8, v46;
	v25 =	vor.u32 $0x9, v46;
	v33 =	vld.idx.msk [tilespmem:v49+s11+$0x0], $0xffff  }
0x1be: {  	v43 =	vor.u32 $0x3, v40;
	vm1 =	vge.f32 v37, v38;
	vm0 =	vge.f32 v22, v32;
	v30 =	vld.idx.msk [tilespmem:v40+s3+$0x0], $0xffff  }
0x1bf: {  	v45 =	vor.u32 $0x4, v40;
	vm2 =	vge.f32 v48, v47;
	vm1 =	vmneg vm1;
	v34 =	vld.idx.msk [tilespmem:v34+s3+$0x0], $0xffff  }
0x1c0: {  	s19 =	sadd.s32 $0x2, s19;
	vm3 =	vge.f32 v51, v52;
	v38 =	vsel vm1, v38, v37;
	v46 =	vor.u32 $0x5, v40;
	v36 =	vld.idx.msk [tilespmem:v36+s3+$0x0], $0xffff  }
0x1c1: {  	p0 =	slt.u32 s19, $0x3C;
	v32 =	vsel vm0, v22, v32;
	v49 =	vor.u32 $0x6, v40;
	[tilespmem:v41+s15+$0x0] =	vst.idx.add.f32.msk $0xffff, v8;
	v41 =	vsel vm2, v48, v47  }
0x1c2: {  	v22 =	vmovc v39;
	vm4 =	vge.f32 v23, v32;
	v47 =	vsel vm3, v51, v52;
	v37 =	vld.idx.msk [tilespmem:v42+s3+$0x0], $0xffff;
	v42 =	vor.u32 $0x7, v40  }
0x1c3: {  	v32 =	vsel vm4, v23, v32;
	v23 =	vmovc v38;
	v48 =	vor.u32 $0x1, v40;
	vm5 =	vge.f32 v41, v47;
	v39 =	vld.idx.msk [tilespmem:v43+s3+$0x0], $0xffff  }
0x1c4: {  	v43 =	vsel vm0, $0x2, v3;
	v47 =	vsel vm5, v41, v47;
	v38 =	vld.idx.msk [tilespmem:v45+s3+$0x0], $0xffff;
	v45 =	vsel vm1, $0x1, v7  }
.Ltmp4:
0x1c5: {  	v51 =	vsel vm3, $0x6, v5;
	vm0 =	vge.f32 v32, v47;
	v40 =	vld.idx.msk [tilespmem:v46+s3+$0x0], $0xffff;
	v46 =	vsel vm2, $0x4, v4;
	(pc) =	sbr.rel @p0 .LBB2_10-.Ltmp4, $4  }
0x1c6: {  	vm1 =	vge.f32 v53, v54;
	v32 =	vsel vm0, v32, v47;
	v41 =	vld.idx.msk [tilespmem:v49+s3+$0x0], $0xffff;
	v49 =	vsel vm4, v24, v43  }
0x1c7: {  	v47 =	vsel vm1, v53, v54;
	v52 =	vsel vm1, $0x8, v6;
	v46 =	vsel vm5, v46, v51;
	v24 =	vmovc v45;
	v43 =	vld.idx.msk [tilespmem:v42+s3+$0x0], $0xffff  }
0x1c8: {  	v42 =	vmul.u32 $0xA, v44;
	v44 =	vsel vm0, v49, v46;
	vm0 =	vge.f32 v32, v47;
	v45 =	vld.idx.msk [tilespmem:v48+s3+$0x0], $0xffff  }
0x1c9: {  	s20 =	sadd.s32 $0x20, s20;
	v46 =	vsel vm0, v44, v52;
	v44 =	vshll.u32 v35, $0x4;
	v32 =	vld.idx.msk [tilespmem:v50+s3+$0x0], $0xffff  }
0x1ca: {  	_ =	sdelay $0x3  }
0x1cb: {  	v31 =	vld.idx.msk [tilespmem:v31+s3+$0x0], $0xffff  }
0x1cc: {  	vm0 =	vge.f32 v37, v39;
	v29 =	vld.idx.msk [tilespmem:v29+s3+$0x0], $0xffff  }
0x1cd: {  	vm1 =	vge.f32 v34, v36;
	v33 =	vmul.u32 $0xA, v33;
	vm3 =	vge.f32 v38, v40;
	v28 =	vld.idx.msk [tilespmem:v28+s3+$0x0], $0xffff  }
0x1ce: {  	v27 =	vld.idx.msk [tilespmem:v27+s3+$0x0], $0xffff;
	v21 =	vadd.s32 v21, v46;
	v35 =	vsel vm0, v37, v39;
	v34 =	vsel vm1, v34, v36  }
0x1cf: {  	v26 =	vld.idx.msk [tilespmem:v26+s3+$0x0], $0xffff;
	v59 =	vsel vm3, v38, v40;
	v61 =	vsel vm0, $0x2, v3;
	v62 =	vsel vm3, $0x4, v4  }
0x1d0: {  	v25 =	vld.idx.msk [tilespmem:v25+s3+$0x0], $0xffff;
	v21 =	vshll.u32 v21, $0x4;
	vm4 =	vge.f32 v41, v43;
	vm2 =	vge.f32 v30, v45  }
0x1d1: {  	v60 =	vsel vm4, v41, v43;
	v41 =	vsel vm4, $0x6, v5;
	v43 =	vsel vm1, $0x8, v6  }
0x1d2: {  	vm2 =	vmneg vm2;
	vm5 =	vge.f32 v59, v60;
	vm10 =	vge.f32 v22, v32  }
0x1d3: {  	v58 =	vsel vm2, v45, v30;
	v63 =	vsel vm5, v59, v60;
	v40 =	vsel vm2, $0x1, v7  }
0x1d4: {  	v37 =	vsel vm5, v62, v41;
	vm11 =	vge.f32 v31, v29;
	vm12 =	vge.f32 v28, v27  }
0x1d5: {  	v22 =	vsel vm10, v22, v32;
	vm5 =	vge.f32 v26, v25;
	vm15 =	vge.f32 v58, v35  }
0x1d6: {  	v29 =	vsel vm11, v31, v29;
	v27 =	vsel vm12, v28, v27;
	vm13 =	vge.f32 v23, v22  }
0x1d7: {  	v45 =	vsel vm11, $0x4, v4;
	v46 =	vsel vm12, $0x6, v5;
	v47 =	vsel vm5, v26, v25  }
0x1d8: {  	v49 =	vsel vm5, $0x8, v6;
	v30 =	vsel vm15, v58, v35;
	v36 =	vsel vm15, v40, v61  }
0x1d9: {  	v22 =	vsel vm13, v23, v22;
	vm14 =	vge.f32 v29, v27;
	v23 =	vsel vm10, $0x2, v3  }
0x1da: {  	vm8 =	vge.f32 v30, v63;
	v27 =	vsel vm14, v29, v27;
	v23 =	vsel vm13, v24, v23  }
0x1db: {  	v48 =	vsel vm14, v45, v46;
	v30 =	vsel vm8, v30, v63;
	vm15 =	vge.f32 v22, v27  }
0x1dc: {  	v36 =	vsel vm8, v36, v37;
	vm9 =	vge.f32 v30, v34;
	v22 =	vsel vm15, v22, v27  }
0x1dd: {  	v23 =	vsel vm15, v23, v48;
	v30 =	vsel vm9, v36, v43;
	vm6 =	vge.f32 v22, v47  }
0x1de: {  	v21 =	vor.u32 v0, v21;
	v30 =	vadd.s32 v33, v30;
	v23 =	vsel vm6, v23, v49  }
0x1df: {  	v22 =	vor.u32 v0, v44;
	v50 =	vshll.u32 v30, $0x4;
	v23 =	vadd.s32 v42, v23  }
0x1e0: {  	v24 =	vor.u32 v0, v50;
	v23 =	vshll.u32 v23, $0x4  }
0x1e1: {  	v23 =	vor.u32 v0, v23;
	_ =	sdelay $0x1  }
0x1e2: {  	[tilespmem:v21+s15+$0x0] =	vst.idx.add.f32.msk $0xffff, v8  }
0x1e3: {  	[tilespmem:v22+s15+$0x0] =	vst.idx.add.f32.msk $0xffff, v8  }
0x1e4: {  	[tilespmem:v24+s15+$0x0] =	vst.idx.add.f32.msk $0xffff, v8  }
0x1e5: {  	[tilespmem:v23+s15+$0x0] =	vst.idx.add.f32.msk $0xffff, v8  }
0x1e6: {  	v21 =	vld.idx.msk [tilespmem:v11+s3+$0x0], $0xff  }
0x1e7: {  	v22 =	vld.idx.msk [tilespmem:v12+s3+$0x0], $0xff  }
0x1e8: {  	v23 =	vld.idx.msk [tilespmem:v13+s3+$0x0], $0xff  }
0x1e9: {  	v24 =	vld.idx.msk [tilespmem:v14+s3+$0x0], $0xff  }
0x1ea: {  	v51 =	vld.idx.msk [tilespmem:v15+s3+$0x0], $0xff  }
0x1eb: {  	v52 =	vld.idx.msk [tilespmem:v16+s3+$0x0], $0xff  }
0x1ec: {  	v53 =	vld.idx.msk [tilespmem:v17+s3+$0x0], $0xff  }
0x1ed: {  	v54 =	vld.idx.msk [tilespmem:v18+s3+$0x0], $0xff  }
0x1ee: {  	v55 =	vld.idx.msk [tilespmem:v19+s3+$0x0], $0xff  }
0x1ef: {  	v56 =	vld.idx.msk [tilespmem:v20+s3+$0x0], $0xff;
	_ =	sdelay $0x3  }
0x1f0: {  	vm7 =	vge.f32 v21, v22;
	vm8 =	vge.f32 v23, v24;
	vm9 =	vge.f32 v51, v52  }
0x1f1: {  	vm10 =	vge.f32 v53, v54;
	vm13 =	vge.f32 v55, v56;
	vm0 =	vmneg vm7  }
0x1f2: {  	v23 =	vsel vm8, v23, v24;
	v57 =	vsel vm8, $0x2, v3;
	v25 =	vsel vm9, v51, v52  }
0x1f3: {  	v58 =	vld.idx.msk [tilespmem:v10+s11+$0x0], $0xff;
	v59 =	vsel vm9, $0x4, v4;
	v27 =	vsel vm10, v53, v54;
	v21 =	vsel vm0, v22, v21  }
0x1f4: {  	v60 =	vsel vm10, $0x6, v5;
	vm12 =	vge.f32 v25, v27;
	vm11 =	vge.f32 v21, v23  }
0x1f5: {  	v61 =	vsel vm13, v55, v56;
	v21 =	vsel vm11, v21, v23;
	v23 =	vsel vm12, v25, v27  }
0x1f6: {  	v62 =	vsel vm13, $0x8, v6;
	v22 =	vsel vm0, $0x1, v7;
	vm14 =	vge.f32 v21, v23  }
0x1f7: {  	v63 =	vsel vm12, v59, v60;
	v22 =	vsel vm11, v22, v57;
	v21 =	vsel vm14, v21, v23  }
0x1f8: {  	v22 =	vsel vm14, v22, v63;
	vm15 =	vge.f32 v21, v61;
	v21 =	vmul.u32 $0xA, v58  }
0x1f9: {  	v22 =	vsel vm15, v22, v62  }
0x1fa: {  	v21 =	vadd.s32 v21, v22  }
0x1fb: {  	v21 =	vshll.u32 v21, $0x4  }
0x1fc: {  	v21 =	vor.u32 v0, v21;
	_ =	sdelay $0x2  }
0x1fd: {  	s18 =	sadd.s32 $0x1, s18  }
0x1fe: {  	p0 =	sne.s32 s18, s10  }
.Ltmp5:
0x1ff: {  	[tilespmem:v21+s15+$0x0] =	vst.idx.add.f32.msk $0xff, v8;
	(pc) =	sbr.rel @p0 .LBB2_1-.Ltmp5, $4  }
0x200: {  	[hbm4b:s9+s3] =	stream.linear.scatter [tilespmem:s15], [sflag:$0x3], $0x640, $0x38;
	[tilespmem:$0x8D30] =	vst v63  }
0x201: {  	_ =	swait.ge [sflag:s17], $0x640  }
0x202: {  	[sflag:s17] =	ssyncset.done $0x0  }
0x203: {  	[sflag:s17] =	ssyncadd.s32 $0xFFFFF9C0  }
0x204: {  	_ =	sfence.sel $0x180000  }
0x205: {  	[bflag:$0x0] =	sbarrier.arrive $0xFFFF  }
0x206: {  	p0 =	sne.s32 s0, $0x0;
	_ =	strace $0x90000047  }
0x207: {  	s0 =	sadd.s32 @!p0 $0x100000, s1;
	[bflag:$0x2] =	sbarrier.arrive $0xFFFF  }
0x208: {  	[sflag:s0] =	ssyncadd.tile.s32 @!p0 $0x1;
	_ =	shalt  }
.Lfunc_end2:
_tile_overlayer_lowered:
.L_overlay_start_2:
0x209: {  	(tag) =	ssettag $0x2  }
0x20a: {  	s0 =	rddreg [dreg:$0x0];
	s2 =	stileid.u32  }
0x20b: {  	s1 =	rddreg [dreg:$0x1];
	p0 =	sne.s32 s2, $0x0  }
0x20c: {  	s3 =	rddreg [dreg:$0x2];
	[bflag:$0x3] =	sbarrier.arrive $0xFFFF;
	s2 =	simm.s32 @!p0 $0x1C03  }
0x20d: {  	[timem:s3], [sflag:s2] =	dma.local @!p0 [hbm:s0], s1  }
0x20e: {  	s0 =	simm.s32 @!p0 $0x3  }
0x20f: {  	_ =	swait.ge @!p0 [sflag:s0], s1  }
0x210: {  	s1 =	ssub.s32 @!p0 $0x0, s1;
	[sflag:s0] =	ssyncset.done @!p0 $0x0  }
0x211: {  	[sflag:s0] =	ssyncadd.s32 @!p0 s1  }
0x212: {  	[bflag:$0x3] =	sbarrier.arrive $0xFFFF  }
0x213: {  	_ =	shalt  }

</sc_bundles>
